<compile_context>
chip_gen: v7x
topology: tpu7x:2x2x1
jax: 0.10.2.dev20260603
libtpu: 0.0.44.dev20260713+nightly
codegen_flags: <defaults>
</compile_context>

<pallas_src>
import functools

import jax
import jax.numpy as jnp
from jax import lax
from jax.experimental import pallas as pl
from jax.experimental.pallas import tpu as pltpu
from jax.experimental.pallas import tpu_sc as plsc

B = 16384
F = 26
VOCAB = 100000
VOCABP = 100096
NC = 2
NS = 16
HALF = B // NC
AROWS = HALF // 128


def _sc_body(xt_hbm, tab_hbm, out_hbm, tab_loc, xcol_v, vals_v, idx64_v,
             acc_sh, sem_t, sem_x):
    cid = lax.axis_index("c")
    sid = lax.axis_index("s")

    for k in range(AROWS // 16):
        idx64_v[pl.ds(k * 16, 16)] = lax.iota(jnp.int32, 16) + jnp.broadcast_to(
            jnp.int32(k * 16), (16,)
        )

    @pl.when(sid == 0)
    def _():
        def zrow(r, carry):
            for s2 in range(8):
                vals_v[r, pl.ds(s2 * 16, 16)] = jnp.zeros((16,), jnp.float32)
            return carry

        lax.fori_loop(0, AROWS, zrow, 0)
        pltpu.sync_copy(vals_v, acc_sh)

    plsc.subcore_barrier()

    def do_field(f, accumulate):
        cp_t = pltpu.async_copy(tab_hbm.at[f], tab_loc, sem_t)
        cp_x = pltpu.async_copy(
            xt_hbm.at[pl.ds(f * B + cid * HALF, HALF)], xcol_v, sem_x
        )
        cp_x.wait()
        cp_t.wait()

        def grow(r, carry):
            for s2 in range(8):
                sl = pl.ds(s2 * 16, 16)
                idx16 = xcol_v[pl.ds(r * 128 + s2 * 16, 16)]
                v16 = plsc.load_gather(tab_loc, [idx16])
                if accumulate:
                    vals_v[r, sl] = vals_v[r, sl] + v16
                else:
                    vals_v[r, sl] = v16
            return carry

        lax.fori_loop(0, AROWS, grow, 0)

    do_field(sid, accumulate=False)

    @pl.when(sid < F - NS)
    def _():
        do_field(sid + NS, accumulate=True)

    pltpu.sync_copy(vals_v, acc_sh.at[idx64_v], add=True)
    plsc.subcore_barrier()

    @pl.when(sid == 0)
    def _():
        pltpu.sync_copy(acc_sh, out_hbm.at[cid])


@functools.partial(
    pl.kernel,
    mesh=plsc.VectorSubcoreMesh(core_axis_name="c", subcore_axis_name="s"),
    out_type=jax.ShapeDtypeStruct((NC, AROWS, 128), jnp.float32),
    scratch_types=[
        pltpu.VMEM((VOCAB,), jnp.float32),
        pltpu.VMEM((HALF,), jnp.int32),
        pltpu.VMEM((AROWS, 128), jnp.float32),
        pltpu.VMEM((AROWS,), jnp.int32),
        pltpu.VMEM_SHARED((AROWS, 128), jnp.float32),
        pltpu.SemaphoreType.DMA,
        pltpu.SemaphoreType.DMA,
    ],
    compiler_params=pltpu.CompilerParams(needs_layout_passes=False, use_tc_tiling_on_sc=True),
)
def _sc_call(xt_hbm, tab_hbm, out_hbm, tab_loc, xcol_v, vals_v, idx64_v,
             acc_sh, sem_t, sem_x):
    _sc_body(xt_hbm, tab_hbm, out_hbm, tab_loc, xcol_v, vals_v, idx64_v,
             acc_sh, sem_t, sem_x)


@jax.jit
def kernel(x, tables):
    xt = x.astype(jnp.int32).T.reshape(-1)
    out = _sc_call(xt, tables.reshape(F, VOCAB))
    return out.reshape(B, 1)

# --- scband reference (transcript-rebuilt; emitter-appended) ---
"""Pipeline reference for scband-linear-regression-layer-71425306132970 (READ-ONLY COPY).

The authoritative reference and input builder live on the scoring server;
editing this copy changes nothing except your own understanding.
"""

import jax, jax.numpy as jnp
import numpy as np

B = 16384
F = 26
VOCAB = 100000

def setup_inputs(seed: int = 0) -> dict:
    key = jax.random.key(seed)
    k_idx, k_tab = jax.random.split(key)
    x = jax.random.randint(k_idx, (B, F), 0, VOCAB, dtype=jnp.int64 if jax.config.read('jax_enable_x64') else jnp.int32)
    # One 1-dim embedding table per sparse feature field, stacked: [F, VOCAB, 1]
    tables = jax.random.normal(k_tab, (F, VOCAB, 1), dtype=jnp.float32) * 0.01
    return {"x": x, "tables": tables}

def reference(x, tables):
    # Faithful to LinearRegression_layer.forward with scalar_only=True:
    # per-field 1-dim embedding lookup of x[:, i].unsqueeze(1) -> [B, 1, 1],
    # concat along dim=1 -> [B, F, 1], then sum over dim=1 -> [B, 1].
    embedded = []
    for i in range(F):
        idx = x[:, i:i+1]                      # [B, 1]
        emb = jnp.take(tables[i], idx, axis=0)  # [B, 1, 1]
        embedded.append(emb)
    cat = jnp.concatenate(embedded, axis=1)    # [B, F, 1]
    return cat.sum(axis=1)                     # [B, 1]

if __name__ == "__main__":
    import jax
    _d = setup_inputs()
    print(jax.jit(kernel)(*tuple(_d.values())))

</pallas_src>

<mosaic_0001>
#map = affine_map<(d0, d1) -> (0)>
#map1 = affine_map<(d0, d1) -> (0, 0)>
#map2 = affine_map<(d0, d1) -> (0, 0, 0)>
module attributes {stable_mosaic.version = 14 : i64} {
  func.func @_sc_call(%arg0: i32, %arg1: i32, %arg2: memref<425984xi32, #tpu.memory_space<hbm>>, %arg3: memref<26x100000xf32, #tpu.memory_space<hbm>>, %arg4: memref<2x64x128xf32, #tpu.memory_space<hbm>>, %arg5: memref<100000xf32, #tpu.memory_space<vmem>>, %arg6: memref<8192xi32, #tpu.memory_space<vmem>>, %arg7: memref<64x128xf32, #tpu.memory_space<vmem>>, %arg8: memref<64xi32, #tpu.memory_space<vmem>>, %arg9: memref<64x128xf32, #tpu.memory_space<vmem_shared>>, %arg10: memref<!tpu.dma_semaphore, #tpu.memory_space<semaphore_mem>>, %arg11: memref<!tpu.dma_semaphore, #tpu.memory_space<semaphore_mem>>) attributes {dimension_semantics = [#tpu.dimension_semantics<core_parallel>, #tpu.dimension_semantics<subcore_parallel>], iteration_bounds = array<i64: 2, 16>, scalar_prefetch = 0 : i64, scratch_operands = 7 : i64, tpu.core_type = #tpu.core_type<sc_vector_subcore>, window_params = [{transform_indices = #map}, {transform_indices = #map1}, {transform_indices = #map2}]} {
    %iota3A = tpu.iota {dimensions = array<i32: 0>} : vector<16xi32>
    %broadcast_in_dim3A = arith.constant 0 : i32
    %broadcast_in_dim3A_0 = vector.broadcast %broadcast_in_dim3A : i32 to vector<16xi32>
    %add3A = arith.addi %iota3A, %broadcast_in_dim3A_0 : vector<16xi32>
    %swap3A = arith.constant 0 : index
    %swap3A_1 = tpu.vector_load %arg8[%swap3A] {strides = array<i32>} : memref<64xi32, #tpu.memory_space<vmem>>, vector<16xi32>,
    tpu.vector_store %arg8[%swap3A], %add3A {strides = array<i32>} : memref<64xi32, #tpu.memory_space<vmem>>, vector<16xi32>,
    %iota3A_2 = tpu.iota {dimensions = array<i32: 0>} : vector<16xi32>
    %broadcast_in_dim3A_3 = arith.constant 16 : i32
    %broadcast_in_dim3A_4 = vector.broadcast %broadcast_in_dim3A_3 : i32 to vector<16xi32>
    %add3A_5 = arith.addi %iota3A_2, %broadcast_in_dim3A_4 : vector<16xi32>
    %swap3A_6 = arith.constant 16 : index
    %swap3A_7 = tpu.vector_load %arg8[%swap3A_6] {strides = array<i32>} : memref<64xi32, #tpu.memory_space<vmem>>, vector<16xi32>,
    tpu.vector_store %arg8[%swap3A_6], %add3A_5 {strides = array<i32>} : memref<64xi32, #tpu.memory_space<vmem>>, vector<16xi32>,
    %iota3A_8 = tpu.iota {dimensions = array<i32: 0>} : vector<16xi32>
    %broadcast_in_dim3A_9 = arith.constant 32 : i32
    %broadcast_in_dim3A_10 = vector.broadcast %broadcast_in_dim3A_9 : i32 to vector<16xi32>
    %add3A_11 = arith.addi %iota3A_8, %broadcast_in_dim3A_10 : vector<16xi32>
    %swap3A_12 = arith.constant 32 : index
    %swap3A_13 = tpu.vector_load %arg8[%swap3A_12] {strides = array<i32>} : memref<64xi32, #tpu.memory_space<vmem>>, vector<16xi32>,
    tpu.vector_store %arg8[%swap3A_12], %add3A_11 {strides = array<i32>} : memref<64xi32, #tpu.memory_space<vmem>>, vector<16xi32>,
    %iota3A_14 = tpu.iota {dimensions = array<i32: 0>} : vector<16xi32>
    %broadcast_in_dim3A_15 = arith.constant 48 : i32
    %broadcast_in_dim3A_16 = vector.broadcast %broadcast_in_dim3A_15 : i32 to vector<16xi32>
    %add3A_17 = arith.addi %iota3A_14, %broadcast_in_dim3A_16 : vector<16xi32>
    %swap3A_18 = arith.constant 48 : index
    %swap3A_19 = tpu.vector_load %arg8[%swap3A_18] {strides = array<i32>} : memref<64xi32, #tpu.memory_space<vmem>>, vector<16xi32>,
    tpu.vector_store %arg8[%swap3A_18], %add3A_17 {strides = array<i32>} : memref<64xi32, #tpu.memory_space<vmem>>, vector<16xi32>,
    %eq3A = arith.constant 0 : i32
    %eq3A_20 = arith.cmpi eq, %arg1, %eq3A : i32
    %convert_element_type3A = arith.extui %eq3A_20 : i1 to i32
    %cond3A = arith.constant 0 : i32
    %cond3A_21 = arith.cmpi ne, %convert_element_type3A, %cond3A : i32
    scf.if %cond3A_21 {
      %scan3A_55 = arith.constant 0 : i32
      %scan3A_56 = arith.constant 0 : i32
      %scan3A_57 = arith.constant 64 : i32
      %scan3A_58 = arith.addi %scan3A_56, %scan3A_57 : i32
      %scan3A_59 = arith.constant 1 : i32
      scf.for %scan3A_61 = %scan3A_56 to %scan3A_58 step %scan3A_59  : i32 {
        %broadcast_in_dim3A_62 = arith.constant 0.000000e+00 : f32
        %broadcast_in_dim3A_63 = vector.broadcast %broadcast_in_dim3A_62 : f32 to vector<16xf32>
        %swap3A_64 = arith.index_cast %scan3A_61 : i32 to index
        %swap3A_65 = arith.constant 0 : index
        %swap3A_66 = tpu.vector_load %arg7[%swap3A_64, %swap3A_65] {strides = array<i32>} : memref<64x128xf32, #tpu.memory_space<vmem>>, vector<16xf32>,
        tpu.vector_store %arg7[%swap3A_64, %swap3A_65], %broadcast_in_dim3A_63 {strides = array<i32>} : memref<64x128xf32, #tpu.memory_space<vmem>>, vector<16xf32>,
        %broadcast_in_dim3A_67 = arith.constant 0.000000e+00 : f32
        %broadcast_in_dim3A_68 = vector.broadcast %broadcast_in_dim3A_67 : f32 to vector<16xf32>
        %swap3A_69 = arith.index_cast %scan3A_61 : i32 to index
        %swap3A_70 = arith.constant 16 : index
        %swap3A_71 = tpu.vector_load %arg7[%swap3A_69, %swap3A_70] {strides = array<i32>} : memref<64x128xf32, #tpu.memory_space<vmem>>, vector<16xf32>,
        tpu.vector_store %arg7[%swap3A_69, %swap3A_70], %broadcast_in_dim3A_68 {strides = array<i32>} : memref<64x128xf32, #tpu.memory_space<vmem>>, vector<16xf32>,
        %broadcast_in_dim3A_72 = arith.constant 0.000000e+00 : f32
        %broadcast_in_dim3A_73 = vector.broadcast %broadcast_in_dim3A_72 : f32 to vector<16xf32>
        %swap3A_74 = arith.index_cast %scan3A_61 : i32 to index
        %swap3A_75 = arith.constant 32 : index
        %swap3A_76 = tpu.vector_load %arg7[%swap3A_74, %swap3A_75] {strides = array<i32>} : memref<64x128xf32, #tpu.memory_space<vmem>>, vector<16xf32>,
        tpu.vector_store %arg7[%swap3A_74, %swap3A_75], %broadcast_in_dim3A_73 {strides = array<i32>} : memref<64x128xf32, #tpu.memory_space<vmem>>, vector<16xf32>,
        %broadcast_in_dim3A_77 = arith.constant 0.000000e+00 : f32
        %broadcast_in_dim3A_78 = vector.broadcast %broadcast_in_dim3A_77 : f32 to vector<16xf32>
        %swap3A_79 = arith.index_cast %scan3A_61 : i32 to index
        %swap3A_80 = arith.constant 48 : index
        %swap3A_81 = tpu.vector_load %arg7[%swap3A_79, %swap3A_80] {strides = array<i32>} : memref<64x128xf32, #tpu.memory_space<vmem>>, vector<16xf32>,
        tpu.vector_store %arg7[%swap3A_79, %swap3A_80], %broadcast_in_dim3A_78 {strides = array<i32>} : memref<64x128xf32, #tpu.memory_space<vmem>>, vector<16xf32>,
        %broadcast_in_dim3A_82 = arith.constant 0.000000e+00 : f32
        %broadcast_in_dim3A_83 = vector.broadcast %broadcast_in_dim3A_82 : f32 to vector<16xf32>
        %swap3A_84 = arith.index_cast %scan3A_61 : i32 to index
        %swap3A_85 = arith.constant 64 : index
        %swap3A_86 = tpu.vector_load %arg7[%swap3A_84, %swap3A_85] {strides = array<i32>} : memref<64x128xf32, #tpu.memory_space<vmem>>, vector<16xf32>,
        tpu.vector_store %arg7[%swap3A_84, %swap3A_85], %broadcast_in_dim3A_83 {strides = array<i32>} : memref<64x128xf32, #tpu.memory_space<vmem>>, vector<16xf32>,
        %broadcast_in_dim3A_87 = arith.constant 0.000000e+00 : f32
        %broadcast_in_dim3A_88 = vector.broadcast %broadcast_in_dim3A_87 : f32 to vector<16xf32>
        %swap3A_89 = arith.index_cast %scan3A_61 : i32 to index
        %swap3A_90 = arith.constant 80 : index
        %swap3A_91 = tpu.vector_load %arg7[%swap3A_89, %swap3A_90] {strides = array<i32>} : memref<64x128xf32, #tpu.memory_space<vmem>>, vector<16xf32>,
        tpu.vector_store %arg7[%swap3A_89, %swap3A_90], %broadcast_in_dim3A_88 {strides = array<i32>} : memref<64x128xf32, #tpu.memory_space<vmem>>, vector<16xf32>,
        %broadcast_in_dim3A_92 = arith.constant 0.000000e+00 : f32
        %broadcast_in_dim3A_93 = vector.broadcast %broadcast_in_dim3A_92 : f32 to vector<16xf32>
        %swap3A_94 = arith.index_cast %scan3A_61 : i32 to index
        %swap3A_95 = arith.constant 96 : index
        %swap3A_96 = tpu.vector_load %arg7[%swap3A_94, %swap3A_95] {strides = array<i32>} : memref<64x128xf32, #tpu.memory_space<vmem>>, vector<16xf32>,
        tpu.vector_store %arg7[%swap3A_94, %swap3A_95], %broadcast_in_dim3A_93 {strides = array<i32>} : memref<64x128xf32, #tpu.memory_space<vmem>>, vector<16xf32>,
        %broadcast_in_dim3A_97 = arith.constant 0.000000e+00 : f32
        %broadcast_in_dim3A_98 = vector.broadcast %broadcast_in_dim3A_97 : f32 to vector<16xf32>
        %swap3A_99 = arith.index_cast %scan3A_61 : i32 to index
        %swap3A_100 = arith.constant 112 : index
        %swap3A_101 = tpu.vector_load %arg7[%swap3A_99, %swap3A_100] {strides = array<i32>} : memref<64x128xf32, #tpu.memory_space<vmem>>, vector<16xf32>,
        tpu.vector_store %arg7[%swap3A_99, %swap3A_100], %broadcast_in_dim3A_98 {strides = array<i32>} : memref<64x128xf32, #tpu.memory_space<vmem>>, vector<16xf32>,
      }
      %scan3A_60 = arith.constant 64 : i32
      "tpu.region"() ({
        %run_scoped3A = tpu.sem_alloc : memref<!tpu.dma_semaphore, #tpu.memory_space<semaphore_mem>>
        tpu.enqueue_dma source(%arg7 : memref<64x128xf32, #tpu.memory_space<vmem>>) target(%arg9 : memref<64x128xf32, #tpu.memory_space<vmem_shared>>) target_semaphore(%run_scoped3A : memref<!tpu.dma_semaphore, #tpu.memory_space<semaphore_mem>>)
        tpu.wait_dma2 semaphore(%run_scoped3A : memref<!tpu.dma_semaphore, #tpu.memory_space<semaphore_mem>>) src(%arg7 : memref<64x128xf32, #tpu.memory_space<vmem>>) dst(%arg9 : memref<64x128xf32, #tpu.memory_space<vmem_shared>>)
        tpu.yield
      }) : () -> ()
    } else {
    }
    %barrier3A = arith.constant 0 : index
    tpu.barrier barrier_id(%barrier3A)
    %dma_start3A = arith.constant 0 : i32
    %dma_start3A_22 = tpu.memref_slice %arg3[%arg1, %dma_start3A] : memref<26x100000xf32, #tpu.memory_space<hbm>> -> memref<1x100000xf32, #tpu.memory_space<hbm>>
    %dma_start3A_23 = tpu.memref_squeeze %dma_start3A_22 : memref<1x100000xf32, #tpu.memory_space<hbm>> -> memref<100000xf32, #tpu.memory_space<hbm>>
    %dma_start3A_24 = arith.constant 0 : i32
    %dma_start3A_25 = tpu.memref_slice %arg3[%arg1, %dma_start3A_24] : memref<26x100000xf32, #tpu.memory_space<hbm>> -> memref<1x100000xf32, #tpu.memory_space<hbm>>
    %dma_start3A_26 = tpu.memref_squeeze %dma_start3A_25 : memref<1x100000xf32, #tpu.memory_space<hbm>> -> memref<100000xf32, #tpu.memory_space<hbm>>
    tpu.enqueue_dma source(%dma_start3A_26 : memref<100000xf32, #tpu.memory_space<hbm>>) target(%arg5 : memref<100000xf32, #tpu.memory_space<vmem>>) target_semaphore(%arg10 : memref<!tpu.dma_semaphore, #tpu.memory_space<semaphore_mem>>)
    %mul3A = arith.constant 16384 : i32
    %mul3A_27 = arith.muli %arg1, %mul3A : i32
    %mul3A_28 = arith.constant 8192 : i32
    %mul3A_29 = arith.muli %arg0, %mul3A_28 : i32
    %add3A_30 = arith.addi %mul3A_27, %mul3A_29 : i32
    %dma_start3A_31 = tpu.memref_slice %arg2[%add3A_30] : memref<425984xi32, #tpu.memory_space<hbm>> -> memref<8192xi32, #tpu.memory_space<hbm>>
    %dma_start3A_32 = tpu.memref_slice %arg2[%add3A_30] : memref<425984xi32, #tpu.memory_space<hbm>> -> memref<8192xi32, #tpu.memory_space<hbm>>
    tpu.enqueue_dma source(%dma_start3A_32 : memref<8192xi32, #tpu.memory_space<hbm>>) target(%arg6 : memref<8192xi32, #tpu.memory_space<vmem>>) target_semaphore(%arg11 : memref<!tpu.dma_semaphore, #tpu.memory_space<semaphore_mem>>)
    %dma_wait3A = tpu.memref_slice %arg2[%add3A_30] : memref<425984xi32, #tpu.memory_space<hbm>> -> memref<8192xi32, #tpu.memory_space<hbm>>
    %dma_wait3A_33 = tpu.memref_slice %arg2[%add3A_30] : memref<425984xi32, #tpu.memory_space<hbm>> -> memref<8192xi32, #tpu.memory_space<hbm>>
    tpu.wait_dma2 semaphore(%arg11 : memref<!tpu.dma_semaphore, #tpu.memory_space<semaphore_mem>>) src(%dma_wait3A_33 : memref<8192xi32, #tpu.memory_space<hbm>>) dst(%arg6 : memref<8192xi32, #tpu.memory_space<vmem>>)
    %dma_wait3A_34 = arith.constant 0 : i32
    %dma_wait3A_35 = tpu.memref_slice %arg3[%arg1, %dma_wait3A_34] : memref<26x100000xf32, #tpu.memory_space<hbm>> -> memref<1x100000xf32, #tpu.memory_space<hbm>>
    %dma_wait3A_36 = tpu.memref_squeeze %dma_wait3A_35 : memref<1x100000xf32, #tpu.memory_space<hbm>> -> memref<100000xf32, #tpu.memory_space<hbm>>
    %dma_wait3A_37 = arith.constant 0 : i32
    %dma_wait3A_38 = tpu.memref_slice %arg3[%arg1, %dma_wait3A_37] : memref<26x100000xf32, #tpu.memory_space<hbm>> -> memref<1x100000xf32, #tpu.memory_space<hbm>>
    %dma_wait3A_39 = tpu.memref_squeeze %dma_wait3A_38 : memref<1x100000xf32, #tpu.memory_space<hbm>> -> memref<100000xf32, #tpu.memory_space<hbm>>
    tpu.wait_dma2 semaphore(%arg10 : memref<!tpu.dma_semaphore, #tpu.memory_space<semaphore_mem>>) src(%dma_wait3A_39 : memref<100000xf32, #tpu.memory_space<hbm>>) dst(%arg5 : memref<100000xf32, #tpu.memory_space<vmem>>)
    %scan3A = arith.constant 0 : i32
    %scan3A_40 = arith.constant 0 : i32
    %scan3A_41 = arith.constant 64 : i32
    %scan3A_42 = arith.addi %scan3A_40, %scan3A_41 : i32
    %scan3A_43 = arith.constant 1 : i32
    scf.for %scan3A_55 = %scan3A_40 to %scan3A_42 step %scan3A_43  : i32 {
      %mul3A_56 = arith.constant 128 : i32
      %mul3A_57 = arith.muli %scan3A_55, %mul3A_56 : i32
      %add3A_58 = arith.constant 0 : i32
      %add3A_59 = arith.addi %mul3A_57, %add3A_58 : i32
      %get3A = arith.index_cast %add3A_59 : i32 to index
      %get3A_60 = tpu.vector_load %arg6[%get3A] {strides = array<i32>} : memref<8192xi32, #tpu.memory_space<vmem>>, vector<16xi32>,
      %gather3A = tpu.vector_load_idx %arg5[%get3A_60] : memref<100000xf32, #tpu.memory_space<vmem>>[vector<16xi32>], vector<16xf32>,
      %swap3A_61 = arith.index_cast %scan3A_55 : i32 to index
      %swap3A_62 = arith.constant 0 : index
      %swap3A_63 = tpu.vector_load %arg7[%swap3A_61, %swap3A_62] {strides = array<i32>} : memref<64x128xf32, #tpu.memory_space<vmem>>, vector<16xf32>,
      tpu.vector_store %arg7[%swap3A_61, %swap3A_62], %gather3A {strides = array<i32>} : memref<64x128xf32, #tpu.memory_space<vmem>>, vector<16xf32>,
      %mul3A_64 = arith.constant 128 : i32
      %mul3A_65 = arith.muli %scan3A_55, %mul3A_64 : i32
      %add3A_66 = arith.constant 16 : i32
      %add3A_67 = arith.addi %mul3A_65, %add3A_66 : i32
      %get3A_68 = arith.index_cast %add3A_67 : i32 to index
      %get3A_69 = tpu.vector_load %arg6[%get3A_68] {strides = array<i32>} : memref<8192xi32, #tpu.memory_space<vmem>>, vector<16xi32>,
      %gather3A_70 = tpu.vector_load_idx %arg5[%get3A_69] : memref<100000xf32, #tpu.memory_space<vmem>>[vector<16xi32>], vector<16xf32>,
      %swap3A_71 = arith.index_cast %scan3A_55 : i32 to index
      %swap3A_72 = arith.constant 16 : index
      %swap3A_73 = tpu.vector_load %arg7[%swap3A_71, %swap3A_72] {strides = array<i32>} : memref<64x128xf32, #tpu.memory_space<vmem>>, vector<16xf32>,
      tpu.vector_store %arg7[%swap3A_71, %swap3A_72], %gather3A_70 {strides = array<i32>} : memref<64x128xf32, #tpu.memory_space<vmem>>, vector<16xf32>,
      %mul3A_74 = arith.constant 128 : i32
      %mul3A_75 = arith.muli %scan3A_55, %mul3A_74 : i32
      %add3A_76 = arith.constant 32 : i32
      %add3A_77 = arith.addi %mul3A_75, %add3A_76 : i32
      %get3A_78 = arith.index_cast %add3A_77 : i32 to index
      %get3A_79 = tpu.vector_load %arg6[%get3A_78] {strides = array<i32>} : memref<8192xi32, #tpu.memory_space<vmem>>, vector<16xi32>,
      %gather3A_80 = tpu.vector_load_idx %arg5[%get3A_79] : memref<100000xf32, #tpu.memory_space<vmem>>[vector<16xi32>], vector<16xf32>,
      %swap3A_81 = arith.index_cast %scan3A_55 : i32 to index
      %swap3A_82 = arith.constant 32 : index
      %swap3A_83 = tpu.vector_load %arg7[%swap3A_81, %swap3A_82] {strides = array<i32>} : memref<64x128xf32, #tpu.memory_space<vmem>>, vector<16xf32>,
      tpu.vector_store %arg7[%swap3A_81, %swap3A_82], %gather3A_80 {strides = array<i32>} : memref<64x128xf32, #tpu.memory_space<vmem>>, vector<16xf32>,
      %mul3A_84 = arith.constant 128 : i32
      %mul3A_85 = arith.muli %scan3A_55, %mul3A_84 : i32
      %add3A_86 = arith.constant 48 : i32
      %add3A_87 = arith.addi %mul3A_85, %add3A_86 : i32
      %get3A_88 = arith.index_cast %add3A_87 : i32 to index
      %get3A_89 = tpu.vector_load %arg6[%get3A_88] {strides = array<i32>} : memref<8192xi32, #tpu.memory_space<vmem>>, vector<16xi32>,
      %gather3A_90 = tpu.vector_load_idx %arg5[%get3A_89] : memref<100000xf32, #tpu.memory_space<vmem>>[vector<16xi32>], vector<16xf32>,
      %swap3A_91 = arith.index_cast %scan3A_55 : i32 to index
      %swap3A_92 = arith.constant 48 : index
      %swap3A_93 = tpu.vector_load %arg7[%swap3A_91, %swap3A_92] {strides = array<i32>} : memref<64x128xf32, #tpu.memory_space<vmem>>, vector<16xf32>,
      tpu.vector_store %arg7[%swap3A_91, %swap3A_92], %gather3A_90 {strides = array<i32>} : memref<64x128xf32, #tpu.memory_space<vmem>>, vector<16xf32>,
      %mul3A_94 = arith.constant 128 : i32
      %mul3A_95 = arith.muli %scan3A_55, %mul3A_94 : i32
      %add3A_96 = arith.constant 64 : i32
      %add3A_97 = arith.addi %mul3A_95, %add3A_96 : i32
      %get3A_98 = arith.index_cast %add3A_97 : i32 to index
      %get3A_99 = tpu.vector_load %arg6[%get3A_98] {strides = array<i32>} : memref<8192xi32, #tpu.memory_space<vmem>>, vector<16xi32>,
      %gather3A_100 = tpu.vector_load_idx %arg5[%get3A_99] : memref<100000xf32, #tpu.memory_space<vmem>>[vector<16xi32>], vector<16xf32>,
      %swap3A_101 = arith.index_cast %scan3A_55 : i32 to index
      %swap3A_102 = arith.constant 64 : index
      %swap3A_103 = tpu.vector_load %arg7[%swap3A_101, %swap3A_102] {strides = array<i32>} : memref<64x128xf32, #tpu.memory_space<vmem>>, vector<16xf32>,
      tpu.vector_store %arg7[%swap3A_101, %swap3A_102], %gather3A_100 {strides = array<i32>} : memref<64x128xf32, #tpu.memory_space<vmem>>, vector<16xf32>,
      %mul3A_104 = arith.constant 128 : i32
      %mul3A_105 = arith.muli %scan3A_55, %mul3A_104 : i32
      %add3A_106 = arith.constant 80 : i32
      %add3A_107 = arith.addi %mul3A_105, %add3A_106 : i32
      %get3A_108 = arith.index_cast %add3A_107 : i32 to index
      %get3A_109 = tpu.vector_load %arg6[%get3A_108] {strides = array<i32>} : memref<8192xi32, #tpu.memory_space<vmem>>, vector<16xi32>,
      %gather3A_110 = tpu.vector_load_idx %arg5[%get3A_109] : memref<100000xf32, #tpu.memory_space<vmem>>[vector<16xi32>], vector<16xf32>,
      %swap3A_111 = arith.index_cast %scan3A_55 : i32 to index
      %swap3A_112 = arith.constant 80 : index
      %swap3A_113 = tpu.vector_load %arg7[%swap3A_111, %swap3A_112] {strides = array<i32>} : memref<64x128xf32, #tpu.memory_space<vmem>>, vector<16xf32>,
      tpu.vector_store %arg7[%swap3A_111, %swap3A_112], %gather3A_110 {strides = array<i32>} : memref<64x128xf32, #tpu.memory_space<vmem>>, vector<16xf32>,
      %mul3A_114 = arith.constant 128 : i32
      %mul3A_115 = arith.muli %scan3A_55, %mul3A_114 : i32
      %add3A_116 = arith.constant 96 : i32
      %add3A_117 = arith.addi %mul3A_115, %add3A_116 : i32
      %get3A_118 = arith.index_cast %add3A_117 : i32 to index
      %get3A_119 = tpu.vector_load %arg6[%get3A_118] {strides = array<i32>} : memref<8192xi32, #tpu.memory_space<vmem>>, vector<16xi32>,
      %gather3A_120 = tpu.vector_load_idx %arg5[%get3A_119] : memref<100000xf32, #tpu.memory_space<vmem>>[vector<16xi32>], vector<16xf32>,
      %swap3A_121 = arith.index_cast %scan3A_55 : i32 to index
      %swap3A_122 = arith.constant 96 : index
      %swap3A_123 = tpu.vector_load %arg7[%swap3A_121, %swap3A_122] {strides = array<i32>} : memref<64x128xf32, #tpu.memory_space<vmem>>, vector<16xf32>,
      tpu.vector_store %arg7[%swap3A_121, %swap3A_122], %gather3A_120 {strides = array<i32>} : memref<64x128xf32, #tpu.memory_space<vmem>>, vector<16xf32>,
      %mul3A_124 = arith.constant 128 : i32
      %mul3A_125 = arith.muli %scan3A_55, %mul3A_124 : i32
      %add3A_126 = arith.constant 112 : i32
      %add3A_127 = arith.addi %mul3A_125, %add3A_126 : i32
      %get3A_128 = arith.index_cast %add3A_127 : i32 to index
      %get3A_129 = tpu.vector_load %arg6[%get3A_128] {strides = array<i32>} : memref<8192xi32, #tpu.memory_space<vmem>>, vector<16xi32>,
      %gather3A_130 = tpu.vector_load_idx %arg5[%get3A_129] : memref<100000xf32, #tpu.memory_space<vmem>>[vector<16xi32>], vector<16xf32>,
      %swap3A_131 = arith.index_cast %scan3A_55 : i32 to index
      %swap3A_132 = arith.constant 112 : index
      %swap3A_133 = tpu.vector_load %arg7[%swap3A_131, %swap3A_132] {strides = array<i32>} : memref<64x128xf32, #tpu.memory_space<vmem>>, vector<16xf32>,
      tpu.vector_store %arg7[%swap3A_131, %swap3A_132], %gather3A_130 {strides = array<i32>} : memref<64x128xf32, #tpu.memory_space<vmem>>, vector<16xf32>,
    }
    %scan3A_44 = arith.constant 64 : i32
    %lt3A = arith.constant 10 : i32
    %lt3A_45 = arith.cmpi slt, %arg1, %lt3A : i32
    %convert_element_type3A_46 = arith.extui %lt3A_45 : i1 to i32
    %cond3A_47 = arith.constant 0 : i32
    %cond3A_48 = arith.cmpi ne, %convert_element_type3A_46, %cond3A_47 : i32
    scf.if %cond3A_48 {
      %add3A_55 = arith.constant 16 : i32
      %add3A_56 = arith.addi %arg1, %add3A_55 : i32
      %dma_start3A_57 = arith.constant 0 : i32
      %dma_start3A_58 = tpu.memref_slice %arg3[%add3A_56, %dma_start3A_57] : memref<26x100000xf32, #tpu.memory_space<hbm>> -> memref<1x100000xf32, #tpu.memory_space<hbm>>
      %dma_start3A_59 = tpu.memref_squeeze %dma_start3A_58 : memref<1x100000xf32, #tpu.memory_space<hbm>> -> memref<100000xf32, #tpu.memory_space<hbm>>
      %dma_start3A_60 = arith.constant 0 : i32
      %dma_start3A_61 = tpu.memref_slice %arg3[%add3A_56, %dma_start3A_60] : memref<26x100000xf32, #tpu.memory_space<hbm>> -> memref<1x100000xf32, #tpu.memory_space<hbm>>
      %dma_start3A_62 = tpu.memref_squeeze %dma_start3A_61 : memref<1x100000xf32, #tpu.memory_space<hbm>> -> memref<100000xf32, #tpu.memory_space<hbm>>
      tpu.enqueue_dma source(%dma_start3A_62 : memref<100000xf32, #tpu.memory_space<hbm>>) target(%arg5 : memref<100000xf32, #tpu.memory_space<vmem>>) target_semaphore(%arg10 : memref<!tpu.dma_semaphore, #tpu.memory_space<semaphore_mem>>)
      %mul3A_63 = arith.constant 16384 : i32
      %mul3A_64 = arith.muli %add3A_56, %mul3A_63 : i32
      %mul3A_65 = arith.constant 8192 : i32
      %mul3A_66 = arith.muli %arg0, %mul3A_65 : i32
      %add3A_67 = arith.addi %mul3A_64, %mul3A_66 : i32
      %dma_start3A_68 = tpu.memref_slice %arg2[%add3A_67] : memref<425984xi32, #tpu.memory_space<hbm>> -> memref<8192xi32, #tpu.memory_space<hbm>>
      %dma_start3A_69 = tpu.memref_slice %arg2[%add3A_67] : memref<425984xi32, #tpu.memory_space<hbm>> -> memref<8192xi32, #tpu.memory_space<hbm>>
      tpu.enqueue_dma source(%dma_start3A_69 : memref<8192xi32, #tpu.memory_space<hbm>>) target(%arg6 : memref<8192xi32, #tpu.memory_space<vmem>>) target_semaphore(%arg11 : memref<!tpu.dma_semaphore, #tpu.memory_space<semaphore_mem>>)
      %dma_wait3A_70 = tpu.memref_slice %arg2[%add3A_67] : memref<425984xi32, #tpu.memory_space<hbm>> -> memref<8192xi32, #tpu.memory_space<hbm>>
      %dma_wait3A_71 = tpu.memref_slice %arg2[%add3A_67] : memref<425984xi32, #tpu.memory_space<hbm>> -> memref<8192xi32, #tpu.memory_space<hbm>>
      tpu.wait_dma2 semaphore(%arg11 : memref<!tpu.dma_semaphore, #tpu.memory_space<semaphore_mem>>) src(%dma_wait3A_71 : memref<8192xi32, #tpu.memory_space<hbm>>) dst(%arg6 : memref<8192xi32, #tpu.memory_space<vmem>>)
      %dma_wait3A_72 = arith.constant 0 : i32
      %dma_wait3A_73 = tpu.memref_slice %arg3[%add3A_56, %dma_wait3A_72] : memref<26x100000xf32, #tpu.memory_space<hbm>> -> memref<1x100000xf32, #tpu.memory_space<hbm>>
      %dma_wait3A_74 = tpu.memref_squeeze %dma_wait3A_73 : memref<1x100000xf32, #tpu.memory_space<hbm>> -> memref<100000xf32, #tpu.memory_space<hbm>>
      %dma_wait3A_75 = arith.constant 0 : i32
      %dma_wait3A_76 = tpu.memref_slice %arg3[%add3A_56, %dma_wait3A_75] : memref<26x100000xf32, #tpu.memory_space<hbm>> -> memref<1x100000xf32, #tpu.memory_space<hbm>>
      %dma_wait3A_77 = tpu.memref_squeeze %dma_wait3A_76 : memref<1x100000xf32, #tpu.memory_space<hbm>> -> memref<100000xf32, #tpu.memory_space<hbm>>
      tpu.wait_dma2 semaphore(%arg10 : memref<!tpu.dma_semaphore, #tpu.memory_space<semaphore_mem>>) src(%dma_wait3A_77 : memref<100000xf32, #tpu.memory_space<hbm>>) dst(%arg5 : memref<100000xf32, #tpu.memory_space<vmem>>)
      %scan3A_78 = arith.constant 0 : i32
      %scan3A_79 = arith.constant 0 : i32
      %scan3A_80 = arith.constant 64 : i32
      %scan3A_81 = arith.addi %scan3A_79, %scan3A_80 : i32
      %scan3A_82 = arith.constant 1 : i32
      scf.for %scan3A_84 = %scan3A_79 to %scan3A_81 step %scan3A_82  : i32 {
        %mul3A_85 = arith.constant 128 : i32
        %mul3A_86 = arith.muli %scan3A_84, %mul3A_85 : i32
        %add3A_87 = arith.constant 0 : i32
        %add3A_88 = arith.addi %mul3A_86, %add3A_87 : i32
        %get3A = arith.index_cast %add3A_88 : i32 to index
        %get3A_89 = tpu.vector_load %arg6[%get3A] {strides = array<i32>} : memref<8192xi32, #tpu.memory_space<vmem>>, vector<16xi32>,
        %gather3A = tpu.vector_load_idx %arg5[%get3A_89] : memref<100000xf32, #tpu.memory_space<vmem>>[vector<16xi32>], vector<16xf32>,
        %get3A_90 = arith.index_cast %scan3A_84 : i32 to index
        %get3A_91 = arith.constant 0 : index
        %get3A_92 = tpu.vector_load %arg7[%get3A_90, %get3A_91] {strides = array<i32>} : memref<64x128xf32, #tpu.memory_space<vmem>>, vector<16xf32>,
        %add3A_93 = arith.addf %get3A_92, %gather3A : vector<16xf32>
        %swap3A_94 = arith.index_cast %scan3A_84 : i32 to index
        %swap3A_95 = arith.constant 0 : index
        %swap3A_96 = tpu.vector_load %arg7[%swap3A_94, %swap3A_95] {strides = array<i32>} : memref<64x128xf32, #tpu.memory_space<vmem>>, vector<16xf32>,
        tpu.vector_store %arg7[%swap3A_94, %swap3A_95], %add3A_93 {strides = array<i32>} : memref<64x128xf32, #tpu.memory_space<vmem>>, vector<16xf32>,
        %mul3A_97 = arith.constant 128 : i32
        %mul3A_98 = arith.muli %scan3A_84, %mul3A_97 : i32
        %add3A_99 = arith.constant 16 : i32
        %add3A_100 = arith.addi %mul3A_98, %add3A_99 : i32
        %get3A_101 = arith.index_cast %add3A_100 : i32 to index
        %get3A_102 = tpu.vector_load %arg6[%get3A_101] {strides = array<i32>} : memref<8192xi32, #tpu.memory_space<vmem>>, vector<16xi32>,
        %gather3A_103 = tpu.vector_load_idx %arg5[%get3A_102] : memref<100000xf32, #tpu.memory_space<vmem>>[vector<16xi32>], vector<16xf32>,
        %get3A_104 = arith.index_cast %scan3A_84 : i32 to index
        %get3A_105 = arith.constant 16 : index
        %get3A_106 = tpu.vector_load %arg7[%get3A_104, %get3A_105] {strides = array<i32>} : memref<64x128xf32, #tpu.memory_space<vmem>>, vector<16xf32>,
        %add3A_107 = arith.addf %get3A_106, %gather3A_103 : vector<16xf32>
        %swap3A_108 = arith.index_cast %scan3A_84 : i32 to index
        %swap3A_109 = arith.constant 16 : index
        %swap3A_110 = tpu.vector_load %arg7[%swap3A_108, %swap3A_109] {strides = array<i32>} : memref<64x128xf32, #tpu.memory_space<vmem>>, vector<16xf32>,
        tpu.vector_store %arg7[%swap3A_108, %swap3A_109], %add3A_107 {strides = array<i32>} : memref<64x128xf32, #tpu.memory_space<vmem>>, vector<16xf32>,
        %mul3A_111 = arith.constant 128 : i32
        %mul3A_112 = arith.muli %scan3A_84, %mul3A_111 : i32
        %add3A_113 = arith.constant 32 : i32
        %add3A_114 = arith.addi %mul3A_112, %add3A_113 : i32
        %get3A_115 = arith.index_cast %add3A_114 : i32 to index
        %get3A_116 = tpu.vector_load %arg6[%get3A_115] {strides = array<i32>} : memref<8192xi32, #tpu.memory_space<vmem>>, vector<16xi32>,
        %gather3A_117 = tpu.vector_load_idx %arg5[%get3A_116] : memref<100000xf32, #tpu.memory_space<vmem>>[vector<16xi32>], vector<16xf32>,
        %get3A_118 = arith.index_cast %scan3A_84 : i32 to index
        %get3A_119 = arith.constant 32 : index
        %get3A_120 = tpu.vector_load %arg7[%get3A_118, %get3A_119] {strides = array<i32>} : memref<64x128xf32, #tpu.memory_space<vmem>>, vector<16xf32>,
        %add3A_121 = arith.addf %get3A_120, %gather3A_117 : vector<16xf32>
        %swap3A_122 = arith.index_cast %scan3A_84 : i32 to index
        %swap3A_123 = arith.constant 32 : index
        %swap3A_124 = tpu.vector_load %arg7[%swap3A_122, %swap3A_123] {strides = array<i32>} : memref<64x128xf32, #tpu.memory_space<vmem>>, vector<16xf32>,
        tpu.vector_store %arg7[%swap3A_122, %swap3A_123], %add3A_121 {strides = array<i32>} : memref<64x128xf32, #tpu.memory_space<vmem>>, vector<16xf32>,
        %mul3A_125 = arith.constant 128 : i32
        %mul3A_126 = arith.muli %scan3A_84, %mul3A_125 : i32
        %add3A_127 = arith.constant 48 : i32
        %add3A_128 = arith.addi %mul3A_126, %add3A_127 : i32
        %get3A_129 = arith.index_cast %add3A_128 : i32 to index
        %get3A_130 = tpu.vector_load %arg6[%get3A_129] {strides = array<i32>} : memref<8192xi32, #tpu.memory_space<vmem>>, vector<16xi32>,
        %gather3A_131 = tpu.vector_load_idx %arg5[%get3A_130] : memref<100000xf32, #tpu.memory_space<vmem>>[vector<16xi32>], vector<16xf32>,
        %get3A_132 = arith.index_cast %scan3A_84 : i32 to index
        %get3A_133 = arith.constant 48 : index
        %get3A_134 = tpu.vector_load %arg7[%get3A_132, %get3A_133] {strides = array<i32>} : memref<64x128xf32, #tpu.memory_space<vmem>>, vector<16xf32>,
        %add3A_135 = arith.addf %get3A_134, %gather3A_131 : vector<16xf32>
        %swap3A_136 = arith.index_cast %scan3A_84 : i32 to index
        %swap3A_137 = arith.constant 48 : index
        %swap3A_138 = tpu.vector_load %arg7[%swap3A_136, %swap3A_137] {strides = array<i32>} : memref<64x128xf32, #tpu.memory_space<vmem>>, vector<16xf32>,
        tpu.vector_store %arg7[%swap3A_136, %swap3A_137], %add3A_135 {strides = array<i32>} : memref<64x128xf32, #tpu.memory_space<vmem>>, vector<16xf32>,
        %mul3A_139 = arith.constant 128 : i32
        %mul3A_140 = arith.muli %scan3A_84, %mul3A_139 : i32
        %add3A_141 = arith.constant 64 : i32
        %add3A_142 = arith.addi %mul3A_140, %add3A_141 : i32
        %get3A_143 = arith.index_cast %add3A_142 : i32 to index
        %get3A_144 = tpu.vector_load %arg6[%get3A_143] {strides = array<i32>} : memref<8192xi32, #tpu.memory_space<vmem>>, vector<16xi32>,
        %gather3A_145 = tpu.vector_load_idx %arg5[%get3A_144] : memref<100000xf32, #tpu.memory_space<vmem>>[vector<16xi32>], vector<16xf32>,
        %get3A_146 = arith.index_cast %scan3A_84 : i32 to index
        %get3A_147 = arith.constant 64 : index
        %get3A_148 = tpu.vector_load %arg7[%get3A_146, %get3A_147] {strides = array<i32>} : memref<64x128xf32, #tpu.memory_space<vmem>>, vector<16xf32>,
        %add3A_149 = arith.addf %get3A_148, %gather3A_145 : vector<16xf32>
        %swap3A_150 = arith.index_cast %scan3A_84 : i32 to index
        %swap3A_151 = arith.constant 64 : index
        %swap3A_152 = tpu.vector_load %arg7[%swap3A_150, %swap3A_151] {strides = array<i32>} : memref<64x128xf32, #tpu.memory_space<vmem>>, vector<16xf32>,
        tpu.vector_store %arg7[%swap3A_150, %swap3A_151], %add3A_149 {strides = array<i32>} : memref<64x128xf32, #tpu.memory_space<vmem>>, vector<16xf32>,
        %mul3A_153 = arith.constant 128 : i32
        %mul3A_154 = arith.muli %scan3A_84, %mul3A_153 : i32
        %add3A_155 = arith.constant 80 : i32
        %add3A_156 = arith.addi %mul3A_154, %add3A_155 : i32
        %get3A_157 = arith.index_cast %add3A_156 : i32 to index
        %get3A_158 = tpu.vector_load %arg6[%get3A_157] {strides = array<i32>} : memref<8192xi32, #tpu.memory_space<vmem>>, vector<16xi32>,
        %gather3A_159 = tpu.vector_load_idx %arg5[%get3A_158] : memref<100000xf32, #tpu.memory_space<vmem>>[vector<16xi32>], vector<16xf32>,
        %get3A_160 = arith.index_cast %scan3A_84 : i32 to index
        %get3A_161 = arith.constant 80 : index
        %get3A_162 = tpu.vector_load %arg7[%get3A_160, %get3A_161] {strides = array<i32>} : memref<64x128xf32, #tpu.memory_space<vmem>>, vector<16xf32>,
        %add3A_163 = arith.addf %get3A_162, %gather3A_159 : vector<16xf32>
        %swap3A_164 = arith.index_cast %scan3A_84 : i32 to index
        %swap3A_165 = arith.constant 80 : index
        %swap3A_166 = tpu.vector_load %arg7[%swap3A_164, %swap3A_165] {strides = array<i32>} : memref<64x128xf32, #tpu.memory_space<vmem>>, vector<16xf32>,
        tpu.vector_store %arg7[%swap3A_164, %swap3A_165], %add3A_163 {strides = array<i32>} : memref<64x128xf32, #tpu.memory_space<vmem>>, vector<16xf32>,
        %mul3A_167 = arith.constant 128 : i32
        %mul3A_168 = arith.muli %scan3A_84, %mul3A_167 : i32
        %add3A_169 = arith.constant 96 : i32
        %add3A_170 = arith.addi %mul3A_168, %add3A_169 : i32
        %get3A_171 = arith.index_cast %add3A_170 : i32 to index
        %get3A_172 = tpu.vector_load %arg6[%get3A_171] {strides = array<i32>} : memref<8192xi32, #tpu.memory_space<vmem>>, vector<16xi32>,
        %gather3A_173 = tpu.vector_load_idx %arg5[%get3A_172] : memref<100000xf32, #tpu.memory_space<vmem>>[vector<16xi32>], vector<16xf32>,
        %get3A_174 = arith.index_cast %scan3A_84 : i32 to index
        %get3A_175 = arith.constant 96 : index
        %get3A_176 = tpu.vector_load %arg7[%get3A_174, %get3A_175] {strides = array<i32>} : memref<64x128xf32, #tpu.memory_space<vmem>>, vector<16xf32>,
        %add3A_177 = arith.addf %get3A_176, %gather3A_173 : vector<16xf32>
        %swap3A_178 = arith.index_cast %scan3A_84 : i32 to index
        %swap3A_179 = arith.constant 96 : index
        %swap3A_180 = tpu.vector_load %arg7[%swap3A_178, %swap3A_179] {strides = array<i32>} : memref<64x128xf32, #tpu.memory_space<vmem>>, vector<16xf32>,
        tpu.vector_store %arg7[%swap3A_178, %swap3A_179], %add3A_177 {strides = array<i32>} : memref<64x128xf32, #tpu.memory_space<vmem>>, vector<16xf32>,
        %mul3A_181 = arith.constant 128 : i32
        %mul3A_182 = arith.muli %scan3A_84, %mul3A_181 : i32
        %add3A_183 = arith.constant 112 : i32
        %add3A_184 = arith.addi %mul3A_182, %add3A_183 : i32
        %get3A_185 = arith.index_cast %add3A_184 : i32 to index
        %get3A_186 = tpu.vector_load %arg6[%get3A_185] {strides = array<i32>} : memref<8192xi32, #tpu.memory_space<vmem>>, vector<16xi32>,
        %gather3A_187 = tpu.vector_load_idx %arg5[%get3A_186] : memref<100000xf32, #tpu.memory_space<vmem>>[vector<16xi32>], vector<16xf32>,
        %get3A_188 = arith.index_cast %scan3A_84 : i32 to index
        %get3A_189 = arith.constant 112 : index
        %get3A_190 = tpu.vector_load %arg7[%get3A_188, %get3A_189] {strides = array<i32>} : memref<64x128xf32, #tpu.memory_space<vmem>>, vector<16xf32>,
        %add3A_191 = arith.addf %get3A_190, %gather3A_187 : vector<16xf32>
        %swap3A_192 = arith.index_cast %scan3A_84 : i32 to index
        %swap3A_193 = arith.constant 112 : index
        %swap3A_194 = tpu.vector_load %arg7[%swap3A_192, %swap3A_193] {strides = array<i32>} : memref<64x128xf32, #tpu.memory_space<vmem>>, vector<16xf32>,
        tpu.vector_store %arg7[%swap3A_192, %swap3A_193], %add3A_191 {strides = array<i32>} : memref<64x128xf32, #tpu.memory_space<vmem>>, vector<16xf32>,
      }
      %scan3A_83 = arith.constant 64 : i32
    } else {
    }
    "tpu.region"() ({
      %run_scoped3A = tpu.sem_alloc : memref<!tpu.dma_semaphore, #tpu.memory_space<semaphore_mem>>
      %dma_start3A_55 = arith.constant 0 : i32
      %dma_start3A_56 = arith.constant 0 : i32
      %dma_start3A_57 = tpu.memref_slice %arg9[%dma_start3A_55, %dma_start3A_56] : memref<64x128xf32, #tpu.memory_space<vmem_shared>> -> memref<64x128xf32, #tpu.memory_space<vmem_shared>>
      tpu.enqueue_indirect_dma source(%arg7 : memref<64x128xf32, #tpu.memory_space<vmem>>) target(%dma_start3A_57 : memref<64x128xf32, #tpu.memory_space<vmem_shared>>) offsets(%arg8 : memref<64xi32, #tpu.memory_space<vmem>>) semaphore(%run_scoped3A : memref<!tpu.dma_semaphore, #tpu.memory_space<semaphore_mem>>) {add = true}
      %dma_wait3A_58 = arith.constant 0 : i32
      %dma_wait3A_59 = arith.constant 0 : i32
      %dma_wait3A_60 = tpu.memref_slice %arg9[%dma_wait3A_58, %dma_wait3A_59] : memref<64x128xf32, #tpu.memory_space<vmem_shared>> -> memref<64x128xf32, #tpu.memory_space<vmem_shared>>
      tpu.wait_indirect_dma semaphore(%run_scoped3A : memref<!tpu.dma_semaphore, #tpu.memory_space<semaphore_mem>>) src(%arg7 : memref<64x128xf32, #tpu.memory_space<vmem>>) dst(%dma_wait3A_60 : memref<64x128xf32, #tpu.memory_space<vmem_shared>>)
      tpu.yield
    }) : () -> ()
    %barrier3A_49 = arith.constant 0 : index
    tpu.barrier barrier_id(%barrier3A_49)
    %eq3A_50 = arith.constant 0 : i32
    %eq3A_51 = arith.cmpi eq, %arg1, %eq3A_50 : i32
    %convert_element_type3A_52 = arith.extui %eq3A_51 : i1 to i32
    %cond3A_53 = arith.constant 0 : i32
    %cond3A_54 = arith.cmpi ne, %convert_element_type3A_52, %cond3A_53 : i32
    scf.if %cond3A_54 {
      "tpu.region"() ({
        %run_scoped3A = tpu.sem_alloc : memref<!tpu.dma_semaphore, #tpu.memory_space<semaphore_mem>>
        %dma_start3A_55 = arith.constant 0 : i32
        %dma_start3A_56 = arith.constant 0 : i32
        %dma_start3A_57 = tpu.memref_slice %arg4[%arg0, %dma_start3A_55, %dma_start3A_56] : memref<2x64x128xf32, #tpu.memory_space<hbm>> -> memref<1x64x128xf32, #tpu.memory_space<hbm>>
        %dma_start3A_58 = tpu.memref_squeeze %dma_start3A_57 : memref<1x64x128xf32, #tpu.memory_space<hbm>> -> memref<64x128xf32, #tpu.memory_space<hbm>>
        tpu.enqueue_dma source(%arg9 : memref<64x128xf32, #tpu.memory_space<vmem_shared>>) target(%dma_start3A_58 : memref<64x128xf32, #tpu.memory_space<hbm>>) target_semaphore(%run_scoped3A : memref<!tpu.dma_semaphore, #tpu.memory_space<semaphore_mem>>)
        %dma_wait3A_59 = arith.constant 0 : i32
        %dma_wait3A_60 = arith.constant 0 : i32
        %dma_wait3A_61 = tpu.memref_slice %arg4[%arg0, %dma_wait3A_59, %dma_wait3A_60] : memref<2x64x128xf32, #tpu.memory_space<hbm>> -> memref<1x64x128xf32, #tpu.memory_space<hbm>>
        %dma_wait3A_62 = tpu.memref_squeeze %dma_wait3A_61 : memref<1x64x128xf32, #tpu.memory_space<hbm>> -> memref<64x128xf32, #tpu.memory_space<hbm>>
        tpu.wait_dma2 semaphore(%run_scoped3A : memref<!tpu.dma_semaphore, #tpu.memory_space<semaphore_mem>>) src(%arg9 : memref<64x128xf32, #tpu.memory_space<vmem_shared>>) dst(%dma_wait3A_62 : memref<64x128xf32, #tpu.memory_space<hbm>>)
        tpu.yield
      }) : () -> ()
    } else {
    }
    return
  }
}

</mosaic_0001>

<sc_bundles>
// kernel: kernel.3.cloned.1.call-start
scs
__scs_entry_jumppad:
0x0: {  	(pc) =	sbr.rel $0x88, $3  }
0x1: {  	(tag) =	ssettag $0x0;
	lr =	simm.s32 $0x1  }
0x2: {  	[smem:$0x3F9F] =	sst lr;
	_ =	strace $0xD0000000  }
0x3: {  	_ = 	snop  }
0x4: {  	_ = 	snop  }
0x5: {  	_ = 	snop  }
0x6: {  	_ = 	snop  }
0x7: {  	_ = 	snop  }
__scs_overlays_trampoline_lowered:
0x8: {  	[smem:$0x3FAE] =	sst s0  }
0x9: {  	[smem:$0x3FAF] =	sst s1  }
0xa: {  	[smem:$0x3FB0] =	sst s2  }
0xb: {  	[smem:$0x3FB1] =	sst s3  }
0xc: {  	[smem:$0x3FB2] =	sst s4  }
0xd: {  	[smem:$0x3FB3] =	sst s5  }
0xe: {  	[smem:$0x3FB4] =	sst s6  }
0xf: {  	[smem:$0x3FB5] =	sst s7  }
0x10: {  	[smem:$0x3FB6] =	sst s8  }
0x11: {  	[smem:$0x3FB7] =	sst s9;
	s0 =	simm.s32 @!p0 $0x0  }
0x12: {  	s1 =	sld [smem:$0x3F9D];
	s0 =	simm.s32 @p0 $0x1  }
0x13: {  	[smem:$0x3FB8] =	sst s0;
	s0 =	simm.s32 @!p1 $0x0  }
0x14: {  	s2 =	sld [smem:$0x3F9C];
	s0 =	simm.s32 @p1 $0x1  }
0x15: {  	[smem:$0x3FB9] =	sst s0;
	s0 =	simm.s32 @!p2 $0x0  }
0x16: {  	s3 =	sld [smem:$0x3FDB];
	s0 =	simm.s32 @p2 $0x1  }
0x17: {  	s4 =	simm.s32 $0x1BF5;
	[smem:$0x3FBB] =	sst s0  }
0x18: {  	s0 =	sld [smem:$0x3F9E];
	_ =	swait.ge [sflag:s4], $0x0  }
0x19: {  	s7 =	sld [smem:$0x3F9F]  }
0x1a: {  	s8 =	sadd.s32 $0xFFFFE003, lr  }
0x1b: {  	s9 =	sadd.s32 $0xFFFFFEF7, lr;
	s5 =	simm.s32 $0xFFFFFFFF;
	p2 =	slt.u32 s8, $0xFFFFF086  }
0x1c: {  	p1 =	slt.u32 s9, $0xF7A;
	s5 =	simm.s32 @!p2 $0x0  }
0x1d: {  	s5 =	simm.s32 @p1 $0x1;
	p0 =	seq.s32 s7, s2  }
0x1e: {  	s7 =	smul.u32 @!p0 $0xF7A, s2;
	p2 =	seq.s32 @!p0 s5, $0x0  }
0x1f: {  	s9 =	smul.u32 $0xF7A, s1;
	s8 =	simm.s32 @!p0 $0x1BF5;
	p2 =	por !p2, p0  }
0x20: {  	[sflag:s8] =	ssyncset.s32 @!p0 $0xFFFFF086;
	s6 =	sadd.s32 @!p0 s3, s7;
	s7 =	simm.s32 @!p0 $0x108  }
0x21: {  	s3 =	sadd.s32 s3, s9;
	s6 =	sadd.s32 @!p0 $0x88, s6;
	s7 =	simm.s32 @p2 $0x1082  }
0x22: {  	[simem:s7], [sflag:s8] =	dma.local @!p0 [hbm:s6], $0xF7A  }
0x23: {  	s9 =	sor.u32 $0xD0000000, s2;
	s6 =	simm.s32 $0x108;
	_ =	swait.ge @!p0 [sflag:s8], $0x0  }
0x24: {  	s3 =	sadd.s32 $0x88, s3;
	s6 =	simm.s32 @!p1 $0x1082;
	[sflag:s4] =	ssyncset.s32 $0xFFFFF086  }
0x25: {  	[simem:s6], [sflag:s4] =	dma.local [hbm:s3], $0xF7A  }
0x26: {  	[smem:$0x3F9F] =	sst s1;
	(tag) =	ssettag s2;
	_ =	strace s9  }
0x27: {  	s1 =	sld [smem:$0x3FAF]  }
0x28: {  	s2 =	sld [smem:$0x3FB0]  }
0x29: {  	s4 =	sld [smem:$0x3FB2]  }
0x2a: {  	p0 =	seq.s32 s5, $0x0;
	s5 =	sld [smem:$0x3FB3]  }
0x2b: {  	s6 =	sld [smem:$0x3FB4]  }
0x2c: {  	s7 =	sld [smem:$0x3FB5]  }
0x2d: {  	s3 =	simm.s32 $0x108;
	s8 =	sld [smem:$0x3FB6]  }
0x2e: {  	s3 =	simm.s32 @!p0 $0x1082;
	s9 =	sld [smem:$0x3FB7]  }
0x2f: {  	lr =	sadd.s32 s0, s3;
	s0 =	sld [smem:$0x3FAE]  }
0x30: {  	s3 =	sld [smem:$0x3FB1]  }
0x31: {  	[smem:$0x3FBA] =	sst s10  }
0x32: {  	s10 =	sld [smem:$0x3FB8];
	_ =	sdelay $0x3  }
0x33: {  	p0 =	seq.s32 s10, $0x1;
	s10 =	sld [smem:$0x3FBA];
	_ =	sdelay $0x3  }
0x34: {  	[smem:$0x3FBA] =	sst s10  }
0x35: {  	s10 =	sld [smem:$0x3FB9];
	_ =	sdelay $0x3  }
0x36: {  	p1 =	seq.s32 s10, $0x1;
	s10 =	sld [smem:$0x3FBA];
	_ =	sdelay $0x3  }
0x37: {  	[smem:$0x3FBA] =	sst s10  }
0x38: {  	s10 =	sld [smem:$0x3FBB]  }
0x39: {  	_ = 	snop;
	(pc) =	sbr.ind lr, $3  }
0x3a: {  	_ = 	snop  }
0x3b: {  	_ = 	snop  }
0x3c: {  	p2 =	seq.s32 s10, $0x1;
	s10 =	sld [smem:$0x3FBA]  }
0x3d: {  	_ =	shalt  }
0x3e: {  	_ =	shalt  }
0x3f: {  	_ =	shalt  }
0x40: {  	_ =	shalt  }
0x41: {  	_ =	shalt  }
0x42: {  	_ =	shalt  }
0x43: {  	_ =	shalt  }
0x44: {  	_ =	shalt  }
0x45: {  	_ =	shalt  }
0x46: {  	_ =	shalt  }
0x47: {  	_ =	shalt  }
0x48: {  	_ =	shalt  }
0x49: {  	_ =	shalt  }
0x4a: {  	_ =	shalt  }
0x4b: {  	_ =	shalt  }
0x4c: {  	_ =	shalt  }
0x4d: {  	_ =	shalt  }
0x4e: {  	_ =	shalt  }
0x4f: {  	_ =	shalt  }
0x50: {  	_ =	shalt  }
0x51: {  	_ =	shalt  }
0x52: {  	_ =	shalt  }
0x53: {  	_ =	shalt  }
0x54: {  	_ =	shalt  }
0x55: {  	_ =	shalt  }
0x56: {  	_ =	shalt  }
0x57: {  	_ =	shalt  }
0x58: {  	_ =	shalt  }
0x59: {  	_ =	shalt  }
0x5a: {  	_ =	shalt  }
0x5b: {  	_ =	shalt  }
0x5c: {  	_ =	shalt  }
0x5d: {  	_ =	shalt  }
0x5e: {  	_ =	shalt  }
0x5f: {  	_ =	shalt  }
0x60: {  	_ =	shalt  }
0x61: {  	_ =	shalt  }
0x62: {  	_ =	shalt  }
0x63: {  	_ =	shalt  }
0x64: {  	_ =	shalt  }
0x65: {  	_ =	shalt  }
0x66: {  	_ =	shalt  }
0x67: {  	_ =	shalt  }
0x68: {  	_ =	shalt  }
0x69: {  	_ =	shalt  }
0x6a: {  	_ =	shalt  }
0x6b: {  	_ =	shalt  }
0x6c: {  	_ =	shalt  }
0x6d: {  	_ =	shalt  }
0x6e: {  	_ =	shalt  }
0x6f: {  	_ =	shalt  }
0x70: {  	_ =	shalt  }
0x71: {  	_ =	shalt  }
0x72: {  	_ =	shalt  }
0x73: {  	_ =	shalt  }
0x74: {  	_ =	shalt  }
0x75: {  	_ =	shalt  }
0x76: {  	_ =	shalt  }
0x77: {  	_ =	shalt  }
0x78: {  	_ =	shalt  }
0x79: {  	_ =	shalt  }
0x7a: {  	_ =	shalt  }
0x7b: {  	_ =	shalt  }
0x7c: {  	_ =	shalt  }
0x7d: {  	_ =	shalt  }
0x7e: {  	_ =	shalt  }
0x7f: {  	_ =	shalt  }
0x80: {  	_ =	shalt  }
0x81: {  	_ =	shalt  }
0x82: {  	_ =	shalt  }
0x83: {  	_ =	shalt  }
0x84: {  	_ =	shalt  }
0x85: {  	_ =	shalt  }
0x86: {  	_ =	shalt  }
0x87: {  	_ =	shalt  }
.Lfunc_end0:
.L_simem_size_0:
called_computation_lowered:
.L_overlay_start_0:
0x88: {  	s2 =	sld [smem:$0x3FD9]  }
0x89: {  	s3 =	sld [smem:$0x3FFE];
	_ =	sdelay $0x1  }
0x8a: {  	s1 =	srdreg.scid  }
0x8b: {  	s0 =	sand.u32 $0x1, s1  }
0x8c: {  	s17 =	sshll.u32 s0, $0xA;
	s2 =	sadd.s32 s3, s2  }
0x8d: {  	s2 =	sadd.s32 s2, s17  }
0x8e: {  	[smem:$0x3FC6] =	sst s2  }
0x8f: {  	_ = 	snop  }
0x90: {  	s2 =	sld [smem:$0x3FD0];
	(tm) =	ssettm $0x1  }
0x91: {  	s18 =	sld [smem:$0x3FFB];
	_ =	sdelay $0x3  }
0x92: {  	_ =	strace s18  }
0x93: {  	s3 =	sld [smem:$0x3FFC];
	_ =	sdelay $0x3  }
0x94: {  	_ =	strace s3  }
0x95: {  	s3 =	sld [smem:$0x3FFD];
	_ =	sdelay $0x3  }
0x96: {  	_ =	strace s3  }
0x97: {  	_ =	strace $0x8FFFFFFF  }
0x98: {  	s19 =	sld [smem:$0x3FDB];
	_ =	sdelay $0x1  }
0x99: {  	s4 =	simm.s32 $_scs_section_size  }
0x9a: {  	s5 =	simm.s32 $_size__tile_overlayer_lowered;
	s6 =	simm.s32 $_tile_overlayer_lowered  }
0x9b: {  	s22 =	simm.s32 $0x1BFF;
	s21 =	sshll.u32 s6, $0x1;
	s3 =	sadd.s32 s4, s19  }
0x9c: {  	s7 =	simm.s32 $0x0;
	s20 =	sshll.u32 s5, $0x1;
	s5 =	sadd.s32 s21, s3  }
0x9d: {  	[timem:s7], [sflag:s22] =	dma.local [hbm:s5], s20  }
0x9e: {  	_ =	swait.ge [sflag:s22], s20  }
0x9f: {  	s4 =	ssub.s32 $0x0, s20;
	[sflag:s22] =	ssyncset.done $0x0  }
0xa0: {  	[sflag:s22] =	ssyncadd.s32 s4;
	_ =	sdelay $0x1  }
0xa1: {  	s23 =	simm.s32 $0x1B8B  }
0xa2: {  	_ =	swait.ge [sflag:s23], $0x1  }
0xa3: {  	[sflag:s23] =	ssyncset.done $0x0  }
0xa4: {  	s25 =	simm.s32 $0x1B8E;
	s24 =	sld [smem:$0x3FFE];
	[sflag:s23] =	ssyncadd.s32 $0xFFFFFFFF  }
0xa5: {  	s26 =	simm.s32 $execute0_lowered;
	[smem:$0x3FD2] =	sst s25  }
0xa6: {  	s5 =	sshll.u32 s26, $0x1;
	_ =	strace $0x80000046;
	[dreg:$0x1] =	wrdreg $0xFFFFFFFF  }
0xa7: {  	s28 =	simm.s32 $_size_execute0_lowered;
	s3 =	sadd.s32 s3, s5;
	[dreg:$0x0] =	wrdreg $0x0  }
0xa8: {  	s5 =	sshll.u32 s28, $0x1;
	[dreg:$0x2] =	wrdreg s3  }
0xa9: {  	[dreg:$0x3] =	wrdreg s5  }
0xaa: {  	[dreg:$0x4] =	wrdreg $0xC0  }
0xab: {  	_ =	task [dreg:s7], $0x5FFFF  }
0xac: {  	[dreg:$0x1] =	wrdreg $0xFFFFFFFF  }
0xad: {  	[dreg:$0x0] =	wrdreg $0x60  }
0xae: {  	[dreg:$0x2] =	wrdreg s24  }
0xaf: {  	[dreg:$0x3] =	wrdreg s2  }
0xb0: {  	[dreg:$0x4] =	wrdreg $0x1C7800  }
0xb1: {  	[dreg:$0x5] =	wrdreg $0x9  }
0xb2: {  	_ =	task.clear_ibuf [dreg:s7], $0x6FFFF;
	_ =	strace $0x90000046  }
0xb3: {  	s29 =	simm.s32 $0x9;
	_ =	strace $0x80000048  }
0xb4: {  	_ =	swait.ge [sflag:s29], $0x1  }
0xb5: {  	[sflag:s29] =	ssyncadd.s32 $0xFFFFFFFF  }
0xb6: {  	_ =	strace $0x90000048  }
0xb7: {  	_ =	sfence  }
0xb8: {  	s30 =	sld [smem:$0x0];
	_ =	sdelay $0x2  }
0xb9: {  	s31 =	sshll.u32 s1, $0xD;
	s1 =	sshrl.u32 s1, $0x2  }
0xba: {  	s3 =	sand.u32 $0x4000, s31;
	s1 =	sadd.s32 s1, s30  }
0xbb: {  	s0 =	sor.u32 s3, s0;
	s1 =	sshll.u32 s1, $0x11  }
0xbc: {  	s0 =	sor.u32 s1, s0  }
0xbd: {  	s0 =	sadd.s32 $0x8F2B, s0  }
0xbe: {  	[sflag:s0] =	ssyncadd.remote.s32 $0x1  }
0xbf: {  	_ =	sfence.sel $0xFFFF  }
0xc0: {  	[dreg:$0x0] =	wrdreg $0xFFFFFFFF;
	(pc) =	sbr.abs _section_cstart, $3  }
0xc1: {  	[dreg:$0x1] =	wrdreg $0xFFFFFFFF  }
0xc2: {  	_ =	task.clear_ibuf [dreg:s7], $0x2FFFF;
	_ =	strace $0x9FFFFFFF  }
0xc3: {  	(tm) =	ssettm $0x7FFFFFFF  }
tec
execute0_lowered:
.L_overlay_start_1:
0x0: {  	(tag) =	ssettag $0x1  }
0x1: {  	s3 =	rddreg [dreg:$0x0]  }
0x2: {  	s7 =	rddreg [dreg:$0x1]  }
0x3: {  	s1 =	rddreg [dreg:$0x2]  }
0x4: {  	s0 =	rddreg [dreg:$0x3];
	s2 =	simm.s32 $0x0  }
0x5: {  	s16 =	stileid.u32;
	s5 =	srdreg.scid;
	s15 =	simm.s32 $0x1  }
0x6: {  	s17 =	simm.s32 $0x1C700;
	s18 =	simm.s32 $0x0;
	[smem:$0x7FF] =	sst s2  }
0x7: {  	s6 =	sadd.s32 $0x400, s3;
	s4 =	sshrl.u32 s16, $0x3;
	s8 =	sshll.u32 s16, $0x7  }
0x8: {  	s9 =	sadd.s32 $0xD400, s3;
	s10 =	sand.u32 $0x1, s5;
	s29 =	sor.u32 $0x10, s16  }
0x9: {  	s14 =	sshll.u32 s16, $0xE;
	p0 =	sne.s32 s16, $0x0;
	p1 =	sgt.u32 s16, $0x9  }
0xa: {  	s16 =	simm.s32 $0x40;
	_ =	strace $0x80000047;
	s4 =	smul.u32 $0xC3800, s4  }
0xb: {  	s26 =	sand.u32 $0x380, s8;
	s28 =	ssub.s32 $0x2, s10;
	s12 =	sshrl.u32 s29, $0x3  }
0xc: {  	s13 =	sshll.u32 s10, $0xD;
	s8 =	sshll.u32 s29, $0xE;
	s31 =	sshll.u32 s10, $0xA  }
0xd: {  	s10 =	simm.s32 $0x3;
	s11 =	sshrl.u32 s28, $0x1;
	s12 =	smul.u32 $0xC3800, s12  }
0xe: {  	s30 =	sor.u32 s13, s14;
	s8 =	sor.u32 s13, s8;
	s7 =	sadd.s32 s7, s31  }
0xf: {  	s13 =	simm.s32 $0x18700;
	s14 =	simm.s32 $0x2;
	s4 =	sor.u32 s26, s4  }
.Ltmp0:
0x10: {  	s11 =	ssub.s32 s28, s11;
	s8 =	sshrl.u32 s8, $0x3;
	(pc) =	sbr.rel .LBB2_1-.Ltmp0, $4  }
0x11: {  	s4 =	sshrl.u32 s4, $0x3;
	s5 =	sor.u32 s26, s12;
	s12 =	simm.s32 $0x400  }
0x12: {  	s3 =	sadd.s32 s9, s4;
	s4 =	sshrl.u32 s30, $0x3;
	s5 =	sshrl.u32 s5, $0x3  }
0x13: {  	v0 =	vlaneseq.u32;
	v4 =	vimm.f32 $0.0e+00;
	s4 =	sadd.s32 s6, s4;
	s5 =	sadd.s32 s9, s5;
	s6 =	sadd.s32 s6, s8  }
0x14: {  	v1 =	vor.u32 $0x10, v0;
	v2 =	vor.u32 $0x20, v0;
	v3 =	vor.u32 $0x30, v0;
	s8 =	smax.u32 s11, $0x1;
	s9 =	simm.s32 $0x1A700;
	s11 =	simm.s32 $0x80  }
.LBB2_10:
0x15: {  	v7 =	vld [tilespmem:s19+$0x1A770];
	_ =	sdelay $0x4  }
0x16: {  	v6 =	vadd.f32 v7, v6;
	_ =	sdelay $0x1  }
0x17: {  	v7 =	vld [tilespmem:s21+$0x18710];
	[tilespmem:s19+$0x1A770] =	vst v6  }
0x18: {  	v5 =	vld.idx.msk [tilespmem:v5+s2+$0x0], $0xffff  }
0x19: {  	v6 =	vld [tilespmem:s21+$0x1A700];
	_ =	sdelay $0x4  }
0x1a: {  	v5 =	vadd.f32 v6, v5;
	_ =	sdelay $0x1  }
0x1b: {  	v6 =	vld [tilespmem:s21+$0x1A710];
	[tilespmem:s21+$0x1A700] =	vst v5  }
0x1c: {  	v5 =	vld.idx.msk [tilespmem:v7+s2+$0x0], $0xffff  }
0x1d: {  	v7 =	vld [tilespmem:s21+$0x18720];
	_ =	sdelay $0x4  }
0x1e: {  	v5 =	vadd.f32 v6, v5;
	_ =	sdelay $0x1  }
0x1f: {  	[tilespmem:s21+$0x1A710] =	vst v5;
	v5 =	vld [tilespmem:s21+$0x18730]  }
0x20: {  	v6 =	vld.idx.msk [tilespmem:v7+s2+$0x0], $0xffff  }
0x21: {  	v7 =	vld [tilespmem:s21+$0x1A720];
	_ =	sdelay $0x4  }
0x22: {  	v6 =	vadd.f32 v7, v6  }
0x23: {  	v7 =	vld [tilespmem:s21+$0x18740]  }
0x24: {  	[tilespmem:s21+$0x1A720] =	vst v6;
	v6 =	vld [tilespmem:s21+$0x1A730]  }
0x25: {  	v5 =	vld.idx.msk [tilespmem:v5+s2+$0x0], $0xffff;
	_ =	sdelay $0x4  }
0x26: {  	v5 =	vadd.f32 v6, v5;
	_ =	sdelay $0x1  }
0x27: {  	[tilespmem:s21+$0x1A730] =	vst v5;
	v5 =	vld [tilespmem:s21+$0x18750]  }
0x28: {  	v6 =	vld.idx.msk [tilespmem:v7+s2+$0x0], $0xffff  }
0x29: {  	v7 =	vld [tilespmem:s21+$0x1A740];
	_ =	sdelay $0x4  }
0x2a: {  	v6 =	vadd.f32 v7, v6  }
0x2b: {  	v7 =	vld [tilespmem:s21+$0x18760]  }
0x2c: {  	[tilespmem:s21+$0x1A740] =	vst v6;
	v6 =	vld [tilespmem:s21+$0x1A750]  }
0x2d: {  	v5 =	vld.idx.msk [tilespmem:v5+s2+$0x0], $0xffff;
	_ =	sdelay $0x4  }
0x2e: {  	v5 =	vadd.f32 v6, v5;
	_ =	sdelay $0x1  }
0x2f: {  	[tilespmem:s21+$0x1A750] =	vst v5;
	v5 =	vld [tilespmem:s21+$0x18770]  }
0x30: {  	v6 =	vld.idx.msk [tilespmem:v7+s2+$0x0], $0xffff  }
0x31: {  	v7 =	vld [tilespmem:s21+$0x1A760];
	_ =	sdelay $0x4  }
0x32: {  	v6 =	vadd.f32 v7, v6;
	_ =	sdelay $0x1  }
0x33: {  	[tilespmem:s21+$0x1A760] =	vst v6;
	v6 =	vld [tilespmem:s21+$0x1A770]  }
0x34: {  	v5 =	vld.idx.msk [tilespmem:v5+s2+$0x0], $0xffff;
	_ =	sdelay $0x4  }
0x35: {  	v5 =	vadd.f32 v6, v5;
	_ =	sdelay $0x1  }
0x36: {  	[tilespmem:s21+$0x1A770] =	vst v5  }
.LBB2_11:
0x37: {  	[spmem:s1] =	stream.indirect.scatter.add.f32 [tilespmem:s9], [sflag:$0x3], $0x80, s17, s16, $0xb8;
	[tilespmem:$0x1C980] =	vst v63  }
0x38: {  	_ =	swait.ge [sflag:s10], $0x2000  }
0x39: {  	[sflag:s10] =	ssyncset.done $0x0  }
0x3a: {  	s19 =	sshrl.u32 @!p0 s1, $0x3;
	s18 =	sadd.s32 $0x1, s18;
	[sflag:s10] =	ssyncadd.s32 $0xFFFFE000  }
0x3b: {  	s20 =	simm.s32 @!p0 $0x1C03;
	p2 =	sne.s32 s18, s8;
	[bflag:$0x0] =	sbarrier.arrive $0xFFFF  }
0x3c: {  	[hbm:s7], [sflag:s20] =	dma.local @!p0 [spmem:s19], $0x400  }
.Ltmp1:
0x3d: {  	_ = 	snop;
	(pc) =	sbr.rel @!p2 .LBB2_12-.Ltmp1, $4  }
0x3e: {  	s19 =	simm.s32 @!p0 $0x3  }
0x3f: {  	_ =	swait.ge @!p0 [sflag:s19], $0x400  }
0x40: {  	[sflag:s19] =	ssyncset.done @!p0 $0x0  }
0x41: {  	[sflag:s19] =	ssyncadd.s32 @!p0 $0xFFFFFC00  }
.LBB2_1:
.Ltmp2:
0x42: {  	(pc) =	sbr.rel @p0 .LBB2_5-.Ltmp2, $4  }
0x43: {  	[tilespmem:$0x1C700] =	vst v0  }
0x44: {  	[tilespmem:$0x1C710] =	vst v1  }
0x45: {  	[tilespmem:$0x1C720] =	vst v2  }
0x46: {  	[tilespmem:$0x1C730] =	vst v3  }
0x47: {  	s19 =	sshra.s32 s2, $0x2;
	s20 =	sadd.s32 $0x200, s2  }
.LBB2_3:
0x48: {  	p2 =	sne.s32 s20, $0x7E00;
	[tilespmem:s19+$0x1A770] =	vst v4  }
0x49: {  	[tilespmem:s19+$0x1A700] =	vst v4  }
0x4a: {  	[tilespmem:s19+$0x1A710] =	vst v4  }
.Ltmp3:
0x4b: {  	[tilespmem:s19+$0x1A720] =	vst v4;
	(pc) =	sbr.rel @p2 .LBB2_3-.Ltmp3, $4  }
0x4c: {  	[tilespmem:s19+$0x1A730] =	vst v4  }
0x4d: {  	[tilespmem:s19+$0x1A740] =	vst v4  }
0x4e: {  	[tilespmem:s19+$0x1A750] =	vst v4  }
0x4f: {  	[tilespmem:s19+$0x1A760] =	vst v4;
	s19 =	sshra.s32 s20, $0x2;
	s20 =	sadd.s32 $0x200, s20  }
0x50: {  	[tilespmem:s19+$0x1A770] =	vst v4  }
0x51: {  	[tilespmem:s19+$0x1A700] =	vst v4  }
0x52: {  	[tilespmem:s19+$0x1A710] =	vst v4  }
0x53: {  	[tilespmem:s19+$0x1A720] =	vst v4  }
0x54: {  	[tilespmem:s19+$0x1A730] =	vst v4  }
0x55: {  	[tilespmem:s19+$0x1A740] =	vst v4  }
0x56: {  	[tilespmem:s19+$0x1A750] =	vst v4  }
0x57: {  	[tilespmem:s19+$0x1A760] =	vst v4  }
0x58: {  	[spmem:s1] =	stream.linear.scatter [tilespmem:s9], [sflag:$0x3], $0x2000, $0x38;
	[tilespmem:$0x1C980] =	vst v63  }
0x59: {  	_ =	swait.ge [sflag:s10], $0x2000  }
0x5a: {  	[sflag:s10] =	ssyncset.done $0x0  }
0x5b: {  	[sflag:s10] =	ssyncadd.s32 $0xFFFFE000  }
.LBB2_5:
0x5c: {  	[bflag:$0x0] =	sbarrier.arrive $0xFFFF;
	s19 =	simm.s32 $0x0  }
0x5d: {  	[tilespmem:s19], [sflag:$0x1] =	stream.strided.gather [hbm4b:s3+s11], $0x18700, s12, s11, $0x38;
	[tilespmem:$0x1C980] =	vst v63  }
0x5e: {  	_ = 	snop  }
0x5f: {  	[tilespmem:s13], [sflag:$0x2] =	stream.linear.gather [hbm4b:s4+s19], $0x2000, $0x38;
	[tilespmem:$0x1C980] =	vst v63  }
0x60: {  	_ =	swait.ge [sflag:s14], $0x2000  }
0x61: {  	[sflag:s14] =	ssyncset.done $0x0  }
0x62: {  	[sflag:s14] =	ssyncadd.s32 $0xFFFFE000  }
0x63: {  	_ =	swait.ge [sflag:s15], $0x18700  }
0x64: {  	[sflag:s15] =	ssyncset.done $0x0  }
0x65: {  	s19 =	simm.s32 $0x0;
	[sflag:s15] =	ssyncadd.s32 $0xFFFE7900  }
0x66: {  	v5 =	vld [tilespmem:s19+$0x18700];
	_ =	sdelay $0x5  }
0x67: {  	v6 =	vld [tilespmem:s19+$0x18710];
	_ =	sdelay $0x1  }
0x68: {  	v5 =	vld.idx.msk [tilespmem:v5+s2+$0x0], $0xffff;
	_ =	sdelay $0x4  }
0x69: {  	[tilespmem:s19+$0x1A700] =	vst v5;
	v5 =	vld [tilespmem:s19+$0x18720]  }
0x6a: {  	v6 =	vld.idx.msk [tilespmem:v6+s2+$0x0], $0xffff;
	_ =	sdelay $0x4  }
0x6b: {  	[tilespmem:s19+$0x1A710] =	vst v6;
	v6 =	vld [tilespmem:s19+$0x18730];
	_ =	sdelay $0x1  }
0x6c: {  	v5 =	vld.idx.msk [tilespmem:v5+s2+$0x0], $0xffff;
	_ =	sdelay $0x4  }
0x6d: {  	[tilespmem:s19+$0x1A720] =	vst v5;
	v5 =	vld [tilespmem:s19+$0x18740]  }
0x6e: {  	v6 =	vld.idx.msk [tilespmem:v6+s2+$0x0], $0xffff;
	_ =	sdelay $0x4  }
0x6f: {  	[tilespmem:s19+$0x1A730] =	vst v6;
	v6 =	vld [tilespmem:s19+$0x18750];
	_ =	sdelay $0x1  }
0x70: {  	v5 =	vld.idx.msk [tilespmem:v5+s2+$0x0], $0xffff;
	_ =	sdelay $0x4  }
0x71: {  	v7 =	vld [tilespmem:s19+$0x18760];
	[tilespmem:s19+$0x1A740] =	vst v5  }
0x72: {  	v5 =	vld.idx.msk [tilespmem:v6+s2+$0x0], $0xffff;
	_ =	sdelay $0x4  }
0x73: {  	[tilespmem:s19+$0x1A750] =	vst v5;
	v5 =	vld [tilespmem:s19+$0x18770];
	_ =	sdelay $0x1  }
0x74: {  	v6 =	vld.idx.msk [tilespmem:v7+s2+$0x0], $0xffff;
	_ =	sdelay $0x3  }
0x75: {  	s21 =	simm.s32 $0x80;
	s20 =	simm.s32 $0x400  }
.LBB2_6:
0x76: {  	p2 =	sne.s32 s20, $0x7E00;
	v7 =	vld [tilespmem:s21+$0x18700];
	[tilespmem:s19+$0x1A760] =	vst v6  }
0x77: {  	v5 =	vld.idx.msk [tilespmem:v5+s2+$0x0], $0xffff;
	_ =	sdelay $0x5  }
0x78: {  	v6 =	vld [tilespmem:s21+$0x18710];
	[tilespmem:s19+$0x1A770] =	vst v5;
	s19 =	smov.u32 s21  }
0x79: {  	v5 =	vld.idx.msk [tilespmem:v7+s2+$0x0], $0xffff;
	_ =	sdelay $0x5  }
0x7a: {  	[tilespmem:s19+$0x1A700] =	vst v5;
	v5 =	vld [tilespmem:s19+$0x18720]  }
0x7b: {  	v6 =	vld.idx.msk [tilespmem:v6+s2+$0x0], $0xffff;
	_ =	sdelay $0x5  }
0x7c: {  	[tilespmem:s19+$0x1A710] =	vst v6;
	v6 =	vld [tilespmem:s19+$0x18730]  }
0x7d: {  	v5 =	vld.idx.msk [tilespmem:v5+s2+$0x0], $0xffff;
	_ =	sdelay $0x5  }
0x7e: {  	[tilespmem:s19+$0x1A720] =	vst v5;
	v5 =	vld [tilespmem:s19+$0x18740]  }
0x7f: {  	v6 =	vld.idx.msk [tilespmem:v6+s2+$0x0], $0xffff;
	_ =	sdelay $0x5  }
0x80: {  	[tilespmem:s19+$0x1A730] =	vst v6;
	v6 =	vld [tilespmem:s19+$0x18750]  }
0x81: {  	v5 =	vld.idx.msk [tilespmem:v5+s2+$0x0], $0xffff;
	_ =	sdelay $0x5  }
0x82: {  	[tilespmem:s19+$0x1A740] =	vst v5;
	v7 =	vld [tilespmem:s19+$0x18760]  }
0x83: {  	v5 =	vld.idx.msk [tilespmem:v6+s2+$0x0], $0xffff;
	_ =	sdelay $0x5  }
0x84: {  	[tilespmem:s19+$0x1A750] =	vst v5;
	v5 =	vld [tilespmem:s19+$0x18770]  }
0x85: {  	v6 =	vld.idx.msk [tilespmem:v7+s2+$0x0], $0xffff  }
.Ltmp4:
0x86: {  	(pc) =	sbr.rel @p2 .LBB2_6-.Ltmp4, $2  }
0x87: {  	_ =	sdelay $0x2  }
0x88: {  	s21 =	sshra.s32 s20, $0x2;
	s20 =	sadd.s32 $0x200, s20  }
0x89: {  	_ =	sdelay $0x1  }
0x8a: {  	v7 =	vld [tilespmem:s21+$0x18700]  }
0x8b: {  	[tilespmem:s19+$0x1A760] =	vst v6  }
0x8c: {  	v5 =	vld.idx.msk [tilespmem:v5+s2+$0x0], $0xffff;
	_ =	sdelay $0x3  }
0x8d: {  	v6 =	vld [tilespmem:s21+$0x18710]  }
0x8e: {  	[tilespmem:s19+$0x1A770] =	vst v5  }
0x8f: {  	v5 =	vld.idx.msk [tilespmem:v7+s2+$0x0], $0xffff;
	_ =	sdelay $0x4  }
0x90: {  	[tilespmem:s21+$0x1A700] =	vst v5;
	v5 =	vld [tilespmem:s21+$0x18720]  }
0x91: {  	v6 =	vld.idx.msk [tilespmem:v6+s2+$0x0], $0xffff;
	_ =	sdelay $0x4  }
0x92: {  	[tilespmem:s21+$0x1A710] =	vst v6;
	v6 =	vld [tilespmem:s21+$0x18730];
	_ =	sdelay $0x1  }
0x93: {  	v5 =	vld.idx.msk [tilespmem:v5+s2+$0x0], $0xffff;
	_ =	sdelay $0x4  }
0x94: {  	[tilespmem:s21+$0x1A720] =	vst v5;
	v5 =	vld [tilespmem:s21+$0x18740]  }
0x95: {  	v6 =	vld.idx.msk [tilespmem:v6+s2+$0x0], $0xffff;
	_ =	sdelay $0x4  }
0x96: {  	[tilespmem:s21+$0x1A730] =	vst v6;
	v6 =	vld [tilespmem:s21+$0x18750];
	_ =	sdelay $0x1  }
0x97: {  	v5 =	vld.idx.msk [tilespmem:v5+s2+$0x0], $0xffff;
	_ =	sdelay $0x4  }
0x98: {  	[tilespmem:s21+$0x1A740] =	vst v5;
	v5 =	vld [tilespmem:s21+$0x18760]  }
0x99: {  	v6 =	vld.idx.msk [tilespmem:v6+s2+$0x0], $0xffff;
	_ =	sdelay $0x4  }
0x9a: {  	[tilespmem:s21+$0x1A750] =	vst v6;
	v6 =	vld [tilespmem:s21+$0x18770];
	_ =	sdelay $0x1  }
0x9b: {  	v5 =	vld.idx.msk [tilespmem:v5+s2+$0x0], $0xffff;
	_ =	sdelay $0x4  }
0x9c: {  	[tilespmem:s21+$0x1A760] =	vst v5  }
0x9d: {  	v5 =	vld.idx.msk [tilespmem:v6+s2+$0x0], $0xffff  }
.Ltmp5:
0x9e: {  	_ = 	snop;
	(pc) =	sbr.rel @p1 .LBB2_11-.Ltmp5, $2  }
0x9f: {  	_ =	sdelay $0x2  }
0xa0: {  	[tilespmem:s21+$0x1A770] =	vst v5  }
0xa1: {  	s19 =	simm.s32 $0x0  }
0xa2: {  	[tilespmem:s19], [sflag:$0x1] =	stream.strided.gather [hbm4b:s5+s11], $0x18700, s12, s11, $0x38;
	[tilespmem:$0x1C980] =	vst v63  }
0xa3: {  	_ = 	snop  }
0xa4: {  	[tilespmem:s13], [sflag:$0x2] =	stream.linear.gather [hbm4b:s6+s19], $0x2000, $0x38;
	[tilespmem:$0x1C980] =	vst v63  }
0xa5: {  	_ =	swait.ge [sflag:s14], $0x2000  }
0xa6: {  	[sflag:s14] =	ssyncset.done $0x0  }
0xa7: {  	[sflag:s14] =	ssyncadd.s32 $0xFFFFE000  }
0xa8: {  	_ =	swait.ge [sflag:s15], $0x18700  }
0xa9: {  	[sflag:s15] =	ssyncset.done $0x0  }
0xaa: {  	s19 =	simm.s32 $0x0;
	[sflag:s15] =	ssyncadd.s32 $0xFFFE7900  }
0xab: {  	v5 =	vld [tilespmem:s19+$0x18700];
	_ =	sdelay $0x5  }
0xac: {  	v6 =	vld [tilespmem:s19+$0x18710]  }
0xad: {  	v7 =	vld [tilespmem:s19+$0x1A700]  }
0xae: {  	v5 =	vld.idx.msk [tilespmem:v5+s2+$0x0], $0xffff;
	_ =	sdelay $0x4  }
0xaf: {  	v5 =	vadd.f32 v7, v5;
	_ =	sdelay $0x1  }
0xb0: {  	v7 =	vld [tilespmem:s19+$0x18720];
	[tilespmem:s19+$0x1A700] =	vst v5  }
0xb1: {  	v5 =	vld.idx.msk [tilespmem:v6+s2+$0x0], $0xffff  }
0xb2: {  	v6 =	vld [tilespmem:s19+$0x1A710];
	_ =	sdelay $0x4  }
0xb3: {  	v5 =	vadd.f32 v6, v5;
	_ =	sdelay $0x1  }
0xb4: {  	[tilespmem:s19+$0x1A710] =	vst v5;
	v5 =	vld [tilespmem:s19+$0x18730]  }
0xb5: {  	v6 =	vld.idx.msk [tilespmem:v7+s2+$0x0], $0xffff  }
0xb6: {  	v7 =	vld [tilespmem:s19+$0x1A720];
	_ =	sdelay $0x4  }
0xb7: {  	v6 =	vadd.f32 v7, v6  }
0xb8: {  	v7 =	vld [tilespmem:s19+$0x18740]  }
0xb9: {  	[tilespmem:s19+$0x1A720] =	vst v6;
	v6 =	vld [tilespmem:s19+$0x1A730]  }
0xba: {  	v5 =	vld.idx.msk [tilespmem:v5+s2+$0x0], $0xffff;
	_ =	sdelay $0x4  }
0xbb: {  	v5 =	vadd.f32 v6, v5;
	_ =	sdelay $0x1  }
0xbc: {  	[tilespmem:s19+$0x1A730] =	vst v5;
	v5 =	vld [tilespmem:s19+$0x18750]  }
0xbd: {  	v6 =	vld.idx.msk [tilespmem:v7+s2+$0x0], $0xffff  }
0xbe: {  	v7 =	vld [tilespmem:s19+$0x1A740];
	_ =	sdelay $0x4  }
0xbf: {  	v6 =	vadd.f32 v7, v6  }
0xc0: {  	v7 =	vld [tilespmem:s19+$0x18760]  }
0xc1: {  	[tilespmem:s19+$0x1A740] =	vst v6;
	v6 =	vld [tilespmem:s19+$0x1A750]  }
0xc2: {  	v5 =	vld.idx.msk [tilespmem:v5+s2+$0x0], $0xffff;
	_ =	sdelay $0x4  }
0xc3: {  	v5 =	vadd.f32 v6, v5;
	_ =	sdelay $0x1  }
0xc4: {  	v6 =	vld [tilespmem:s19+$0x18770];
	[tilespmem:s19+$0x1A750] =	vst v5  }
0xc5: {  	v5 =	vld.idx.msk [tilespmem:v7+s2+$0x0], $0xffff  }
0xc6: {  	v7 =	vld [tilespmem:s19+$0x1A760];
	_ =	sdelay $0x4  }
0xc7: {  	v7 =	vadd.f32 v7, v5  }
0xc8: {  	s21 =	simm.s32 $0x80  }
0xc9: {  	v5 =	vld [tilespmem:s21+$0x18700];
	[tilespmem:s19+$0x1A760] =	vst v7  }
0xca: {  	s20 =	simm.s32 $0x400;
	v6 =	vld.idx.msk [tilespmem:v6+s2+$0x0], $0xffff  }
.LBB2_9:
0xcb: {  	p2 =	sne.s32 s20, $0x7E00;
	v7 =	vld [tilespmem:s19+$0x1A770];
	_ =	sdelay $0x4  }
0xcc: {  	v6 =	vadd.f32 v7, v6;
	_ =	sdelay $0x1  }
0xcd: {  	v7 =	vld [tilespmem:s21+$0x18710];
	[tilespmem:s19+$0x1A770] =	vst v6;
	s19 =	smov.u32 s21  }
0xce: {  	v5 =	vld.idx.msk [tilespmem:v5+s2+$0x0], $0xffff  }
0xcf: {  	v6 =	vld [tilespmem:s19+$0x1A700];
	_ =	sdelay $0x4  }
0xd0: {  	v5 =	vadd.f32 v6, v5;
	_ =	sdelay $0x1  }
0xd1: {  	[tilespmem:s19+$0x1A700] =	vst v5;
	v5 =	vld [tilespmem:s19+$0x18720]  }
0xd2: {  	v6 =	vld.idx.msk [tilespmem:v7+s2+$0x0], $0xffff  }
0xd3: {  	v7 =	vld [tilespmem:s19+$0x1A710];
	_ =	sdelay $0x4  }
0xd4: {  	v6 =	vadd.f32 v7, v6;
	_ =	sdelay $0x1  }
0xd5: {  	[tilespmem:s19+$0x1A710] =	vst v6;
	v6 =	vld [tilespmem:s19+$0x18730]  }
0xd6: {  	v5 =	vld.idx.msk [tilespmem:v5+s2+$0x0], $0xffff  }
0xd7: {  	v7 =	vld [tilespmem:s19+$0x1A720];
	_ =	sdelay $0x4  }
0xd8: {  	v5 =	vadd.f32 v7, v5;
	_ =	sdelay $0x1  }
0xd9: {  	[tilespmem:s19+$0x1A720] =	vst v5;
	v5 =	vld [tilespmem:s19+$0x18740]  }
0xda: {  	v6 =	vld.idx.msk [tilespmem:v6+s2+$0x0], $0xffff  }
0xdb: {  	v7 =	vld [tilespmem:s19+$0x1A730];
	_ =	sdelay $0x4  }
0xdc: {  	v6 =	vadd.f32 v7, v6;
	_ =	sdelay $0x1  }
0xdd: {  	[tilespmem:s19+$0x1A730] =	vst v6;
	v6 =	vld [tilespmem:s19+$0x18750]  }
0xde: {  	v5 =	vld.idx.msk [tilespmem:v5+s2+$0x0], $0xffff  }
0xdf: {  	v7 =	vld [tilespmem:s19+$0x1A740];
	_ =	sdelay $0x4  }
0xe0: {  	v5 =	vadd.f32 v7, v5;
	_ =	sdelay $0x1  }
0xe1: {  	[tilespmem:s19+$0x1A740] =	vst v5;
	v5 =	vld [tilespmem:s19+$0x18760]  }
0xe2: {  	v6 =	vld.idx.msk [tilespmem:v6+s2+$0x0], $0xffff  }
0xe3: {  	v7 =	vld [tilespmem:s19+$0x1A750];
	_ =	sdelay $0x4  }
0xe4: {  	v6 =	vadd.f32 v7, v6;
	_ =	sdelay $0x1  }
0xe5: {  	[tilespmem:s19+$0x1A750] =	vst v6;
	v6 =	vld [tilespmem:s19+$0x18770]  }
0xe6: {  	v5 =	vld.idx.msk [tilespmem:v5+s2+$0x0], $0xffff  }
0xe7: {  	v7 =	vld [tilespmem:s19+$0x1A760];
	_ =	sdelay $0x3  }
.Ltmp6:
0xe8: {  	(pc) =	sbr.rel @p2 .LBB2_9-.Ltmp6, $4  }
0xe9: {  	v7 =	vadd.f32 v7, v5  }
0xea: {  	s21 =	sshra.s32 s20, $0x2  }
0xeb: {  	v5 =	vld [tilespmem:s21+$0x18700];
	[tilespmem:s19+$0x1A760] =	vst v7  }
0xec: {  	s20 =	sadd.s32 $0x200, s20;
	v6 =	vld.idx.msk [tilespmem:v6+s2+$0x0], $0xffff  }
.Ltmp7:
0xed: {  	_ = 	snop;
	(pc) =	sbr.rel .LBB2_10-.Ltmp7, $1  }
0xee: {  	_ =	sdelay $0x3  }
.LBB2_12:
0xef: {  	_ =	sfence.sel $0x180000  }
0xf0: {  	[bflag:$0x0] =	sbarrier.arrive $0xFFFF  }
0xf1: {  	_ =	strace $0x90000047  }
0xf2: {  	s0 =	sadd.s32 @!p0 $0x100000, s0;
	[bflag:$0x2] =	sbarrier.arrive $0xFFFF  }
0xf3: {  	[sflag:s0] =	ssyncadd.tile.s32 @!p0 $0x1;
	_ =	shalt  }
.Lfunc_end2:
_tile_overlayer_lowered:
.L_overlay_start_2:
0xf4: {  	(tag) =	ssettag $0x2  }
0xf5: {  	s0 =	rddreg [dreg:$0x0];
	s2 =	stileid.u32  }
0xf6: {  	s1 =	rddreg [dreg:$0x1];
	p0 =	sne.s32 s2, $0x0  }
0xf7: {  	s3 =	rddreg [dreg:$0x2];
	[bflag:$0x3] =	sbarrier.arrive $0xFFFF;
	s2 =	simm.s32 @!p0 $0x1C03  }
0xf8: {  	[timem:s3], [sflag:s2] =	dma.local @!p0 [hbm:s0], s1  }
0xf9: {  	s0 =	simm.s32 @!p0 $0x3  }
0xfa: {  	_ =	swait.ge @!p0 [sflag:s0], s1  }
0xfb: {  	s1 =	ssub.s32 @!p0 $0x0, s1;
	[sflag:s0] =	ssyncset.done @!p0 $0x0  }
0xfc: {  	[sflag:s0] =	ssyncadd.s32 @!p0 s1  }
0xfd: {  	[bflag:$0x3] =	sbarrier.arrive $0xFFFF  }
0xfe: {  	_ =	shalt  }

</sc_bundles>
